<compile_context>
chip_gen: v7x
topology: tpu7x:2x2x1
jax: 0.10.2.dev20260603
libtpu: 0.0.44.dev20260713+nightly
codegen_flags: <defaults>
</compile_context>

<pallas_src>
import functools

import jax
import jax.numpy as jnp
from jax import lax
from jax.experimental import pallas as pl
from jax.experimental.pallas import tpu as pltpu
from jax.experimental.pallas import tpu_sc as plsc

NC = 2
NS = 16
NW = NC * NS
LANES = 16
EB = 128
RB = 256
NG = 128


def _sc_mesh():
    return plsc.VectorSubcoreMesh(core_axis_name="c", subcore_axis_name="s")


def _sc_degree(dstf, npad):
    pt = dstf.shape[1]
    chunk = 1024
    nred = npad // chunk

    @functools.partial(
        pl.kernel,
        out_type=jax.ShapeDtypeStruct((NC * npad,), jnp.float32),
        mesh=_sc_mesh(),
        compiler_params=pltpu.CompilerParams(needs_layout_passes=False),
        scratch_types=[
            pltpu.VMEM((pt,), jnp.int32),
            pltpu.VMEM((npad,), jnp.float32),
            pltpu.VMEM((chunk,), jnp.float32),
            pltpu.VMEM((chunk,), jnp.float32),
            pltpu.VMEM_SHARED((NS, npad), jnp.float32),
        ],
    )
    def k(dst_hbm, out_hbm, dst_v, hist_v, racc_v, rbuf_v, stage_sh):
        c = lax.axis_index("c")
        s = lax.axis_index("s")
        wid = s * NC + c
        pltpu.sync_copy(dst_hbm.at[wid], dst_v)
        zero16 = jnp.zeros((LANES,), jnp.float32)

        def zhist(i, _):
            hist_v[pl.ds(i * LANES, LANES)] = zero16
            return 0

        lax.fori_loop(0, npad // LANES, zhist, 0)

        ones16 = jnp.ones((LANES,), jnp.float32)

        def body(i, _):
            idx = dst_v[pl.ds(i * LANES, LANES)]
            plsc.addupdate_scatter(hist_v, [idx], ones16)
            return 0

        lax.fori_loop(0, pt // LANES, body, 0)

        pltpu.sync_copy(hist_v, stage_sh.at[s])
        plsc.subcore_barrier()

        @pl.when(s < nred)
        def _():
            def zr(i, _):
                racc_v[pl.ds(i * LANES, LANES)] = zero16
                return 0

            lax.fori_loop(0, chunk // LANES, zr, 0)

            def red(t, _):
                pltpu.sync_copy(stage_sh.at[t, pl.ds(s * chunk, chunk)],
                                rbuf_v)

                def addv(i, _):
                    sl = pl.ds(i * LANES, LANES)
                    racc_v[sl] = racc_v[sl] + rbuf_v[sl]
                    return 0

                lax.fori_loop(0, chunk // LANES, addv, 0)
                return 0

            lax.fori_loop(0, NS, red, 0)
            pltpu.sync_copy(racc_v,
                            out_hbm.at[pl.ds(c * npad + s * chunk, chunk)])

    return k(dstf)


def _sc_edge_agg(g, src3, dst3, npad, d, nb0, nb1):
    nblk = src3.shape[1]
    rpt = npad // NS

    @functools.partial(
        pl.kernel,
        out_type=jax.ShapeDtypeStruct((NC, npad, d), jnp.float32),
        mesh=_sc_mesh(),
        compiler_params=pltpu.CompilerParams(needs_layout_passes=False),
        scratch_types=[
            pltpu.VMEM((nblk, EB), jnp.int32),
            pltpu.VMEM((nblk, EB), jnp.int32),
            pltpu.VMEM((EB, d), jnp.float32),
            pltpu.VMEM((LANES, d), jnp.float32),
            pltpu.VMEM_SHARED((npad, d), jnp.float32),
            pltpu.SemaphoreType.DMA,
        ],
    )
    def k(g_hbm, src_hbm, dst_hbm, out_hbm, src_v, dst_v, rows_v, zbuf_v,
          acc_sh, sem):
        c = lax.axis_index("c")
        s = lax.axis_index("s")
        wid = s * NC + c
        pltpu.sync_copy(src_hbm.at[wid], src_v)
        pltpu.sync_copy(dst_hbm.at[wid], dst_v)

        zero16 = jnp.zeros((LANES,), jnp.float32)
        cpr = d // LANES

        def zb(i, _):
            r = i // cpr
            co = (i % cpr) * LANES
            zbuf_v[r, pl.ds(co, LANES)] = zero16
            return 0

        lax.fori_loop(0, LANES * cpr, zb, 0)

        def zacc(i, _):
            pltpu.sync_copy(
                zbuf_v, acc_sh.at[pl.ds(s * rpt + i * LANES, LANES)])
            return 0

        lax.fori_loop(0, rpt // LANES, zacc, 0)
        plsc.subcore_barrier()

        def eb(j, _):
            pltpu.async_copy(g_hbm.at[src_v.at[j]], rows_v, sem).wait()
            pltpu.sync_copy(rows_v, acc_sh.at[dst_v.at[j]], add=True)
            return 0

        nblk_c = jnp.where(c == 0, nb0, nb1)
        lax.fori_loop(0, nblk_c, eb, 0)
        plsc.subcore_barrier()
        pltpu.sync_copy(acc_sh.at[pl.ds(s * rpt, rpt)],
                        out_hbm.at[c, pl.ds(s * rpt, rpt)])

    return k(g, src3, dst3)


def _tc_prep(xp, w1, deg0, deg1, n, npad, d):
    grid = npad // RB

    def body(x_ref, w_ref, d0_ref, d1_ref, g_ref, dinv_ref):
        pid = pl.program_id(0)
        rows = pid * RB + lax.broadcasted_iota(jnp.int32, (RB, 1), 0)
        deg = d0_ref[...] + d1_ref[...]
        dinv = jnp.where((rows < n) & (deg > 0.0), lax.rsqrt(deg), 0.0)
        dinv_ref[...] = dinv
        g_ref[...] = jnp.dot(x_ref[...], w_ref[...],
                             preferred_element_type=jnp.float32) * dinv

    return pl.pallas_call(
        body,
        grid=(grid,),
        in_specs=[
            pl.BlockSpec((RB, d), lambda i: (i, 0)),
            pl.BlockSpec((d, d), lambda i: (0, 0)),
            pl.BlockSpec((RB, 1), lambda i: (i, 0)),
            pl.BlockSpec((RB, 1), lambda i: (i, 0)),
        ],
        out_specs=[
            pl.BlockSpec((RB, d), lambda i: (i, 0)),
            pl.BlockSpec((RB, 1), lambda i: (i, 0)),
        ],
        out_shape=[
            jax.ShapeDtypeStruct((npad, d), jnp.float32),
            jax.ShapeDtypeStruct((npad, 1), jnp.float32),
        ],
    )(xp, w1, deg0, deg1)


def _tc_layer(s0, s1, dinv, b, w, npad, d):
    grid = npad // RB

    def body(s0_ref, s1_ref, dinv_ref, b_ref, w_ref, g_ref):
        dv = dinv_ref[...]
        h = jnp.maximum(dv * (s0_ref[...] + s1_ref[...]) + b_ref[...], 0.0)
        g_ref[...] = jnp.dot(h, w_ref[...],
                             preferred_element_type=jnp.float32) * dv

    return pl.pallas_call(
        body,
        grid=(grid,),
        in_specs=[
            pl.BlockSpec((RB, d), lambda i: (i, 0)),
            pl.BlockSpec((RB, d), lambda i: (i, 0)),
            pl.BlockSpec((RB, 1), lambda i: (i, 0)),
            pl.BlockSpec((1, d), lambda i: (0, 0)),
            pl.BlockSpec((d, d), lambda i: (0, 0)),
        ],
        out_specs=pl.BlockSpec((RB, d), lambda i: (i, 0)),
        out_shape=jax.ShapeDtypeStruct((npad, d), jnp.float32),
    )(s0, s1, dinv, b, w)


def _tc_pool(s0, s1, dinv, b3, batch3, fcw, fcb, npad, d):
    grid = npad // RB

    def body(s0_ref, s1_ref, dinv_ref, b_ref, seg_ref, fw_ref, fb_ref,
             out_ref, sums, counts):
        pid = pl.program_id(0)

        @pl.when(pid == 0)
        def _():
            sums[...] = jnp.zeros_like(sums)
            counts[...] = jnp.zeros_like(counts)

        h = jnp.maximum(
            dinv_ref[...] * (s0_ref[...] + s1_ref[...]) + b_ref[...], 0.0)
        seg = seg_ref[...].reshape(1, RB)
        gid = lax.broadcasted_iota(jnp.int32, (NG, RB), 0)
        onehot = (gid == seg).astype(jnp.float32)
        sums[...] += jnp.dot(onehot, h, preferred_element_type=jnp.float32)
        counts[...] += jnp.sum(onehot, axis=1, keepdims=True)

        @pl.when(pid == grid - 1)
        def _():
            pooled = sums[...] / jnp.maximum(counts[...], 1.0)
            out_ref[...] = jnp.dot(pooled, fw_ref[...],
                                   preferred_element_type=jnp.float32) \
                + fb_ref[...]

    return pl.pallas_call(
        body,
        grid=(grid,),
        in_specs=[
            pl.BlockSpec((RB, d), lambda i: (i, 0)),
            pl.BlockSpec((RB, d), lambda i: (i, 0)),
            pl.BlockSpec((RB, 1), lambda i: (i, 0)),
            pl.BlockSpec((1, d), lambda i: (0, 0)),
            pl.BlockSpec((1, 1, RB), lambda i: (i, 0, 0)),
            pl.BlockSpec((d, d), lambda i: (0, 0)),
            pl.BlockSpec((1, d), lambda i: (0, 0)),
        ],
        out_specs=pl.BlockSpec((NG, d), lambda i: (0, 0)),
        out_shape=jax.ShapeDtypeStruct((NG, d), jnp.float32),
        scratch_shapes=[
            pltpu.VMEM((NG, d), jnp.float32),
            pltpu.VMEM((NG, 1), jnp.float32),
        ],
    )(s0, s1, dinv, b3, batch3, fcw, fcb)


def kernel(x, edge_index, batch, W1, b1, W2, b2, W3, b3, fc_W, fc_b):
    n, d = x.shape
    e = edge_index.shape[1]
    dout = fc_W.shape[1]
    npad = ((n + RB - 1) // RB) * RB

    loop = jnp.arange(n, dtype=jnp.int32)
    src = jnp.concatenate([edge_index[0].astype(jnp.int32), loop])
    dst = jnp.concatenate([edge_index[1].astype(jnp.int32), loop])
    e2 = e + n
    F0 = 0.59
    blk_pair = 2 * ((e2 + NW * EB - 1) // (NW * EB))
    nb0 = int(round(F0 * blk_pair))
    nb1 = blk_pair - nb0
    nbmax = max(nb0, nb1)
    per_tile = nbmax * EB
    counts = [(nb0 if (w % NC) == 0 else nb1) * EB for w in range(NW)]
    offs = [0]
    for cnt in counts:
        offs.append(offs[-1] + cnt)
    total = offs[-1]
    src = jnp.pad(src, (0, total - e2), constant_values=n)
    dst = jnp.pad(dst, (0, total - e2), constant_values=n)

    def table(a):
        rows = []
        for w in range(NW):
            row = lax.dynamic_slice(a, (offs[w],), (counts[w],))
            rows.append(jnp.pad(row, (0, per_tile - counts[w]),
                                constant_values=n))
        return jnp.stack(rows)

    srcT = table(src)
    dstT = table(dst)
    src3 = srcT.reshape(NW, nbmax, EB)
    dst3 = dstT.reshape(NW, nbmax, EB)
    dstf = dstT.reshape(NW, per_tile)

    xp = jnp.pad(x, ((0, npad - n), (0, 0)))
    batchp = jnp.pad(batch.astype(jnp.int32), (0, npad - n),
                     constant_values=NG)
    batch3 = batchp.reshape(npad // RB, 1, RB)
    fcwp = jnp.pad(fc_W, ((0, 0), (0, d - dout)))
    fcbp = jnp.pad(fc_b, (0, d - dout)).reshape(1, d)

    degp = _sc_degree(dstf, npad).reshape(NC, npad, 1)
    deg0 = degp[0]
    deg1 = degp[1]

    g1, dinv = _tc_prep(xp, W1, deg0, deg1, n, npad, d)
    s1 = _sc_edge_agg(g1, src3, dst3, npad, d, nb0, nb1)
    g2 = _tc_layer(s1[0], s1[1], dinv, b1.reshape(1, d), W2, npad, d)
    s2 = _sc_edge_agg(g2, src3, dst3, npad, d, nb0, nb1)
    g3 = _tc_layer(s2[0], s2[1], dinv, b2.reshape(1, d), W3, npad, d)
    s3 = _sc_edge_agg(g3, src3, dst3, npad, d, nb0, nb1)
    out = _tc_pool(s3[0], s3[1], dinv, b3.reshape(1, d), batch3,
                   fcwp, fcbp, npad, d)
    return out[:, :dout]

# --- scband reference (transcript-rebuilt; emitter-appended) ---
"""Pipeline reference for scband-gcn-20890720928308 (READ-ONLY COPY).

The authoritative reference and input builder live on the scoring server;
editing this copy changes nothing except your own understanding.
"""

import jax, jax.numpy as jnp
import numpy as np

N = 10000
E = 320000
D_IN = 128
D_H = 128
D_OUT = 10
N_GRAPHS = 128


def setup_inputs(seed: int = 0) -> dict:
    key = jax.random.key(seed)
    ks = jax.random.split(key, 12)
    x = jax.random.normal(ks[0], (N, D_IN), dtype=jnp.float32)
    edge_index = jax.random.randint(ks[1], (2, E), 0, N, dtype=jnp.int64)
    batch = jnp.sort(jax.random.randint(ks[2], (N,), 0, N_GRAPHS, dtype=jnp.int64))
    def glorot(k, fan_in, fan_out):
        lim = jnp.sqrt(6.0 / (fan_in + fan_out))
        return jax.random.uniform(k, (fan_in, fan_out), minval=-lim, maxval=lim, dtype=jnp.float32)
    W1 = glorot(ks[3], D_IN, D_H)
    b1 = jnp.zeros((D_H,), dtype=jnp.float32)
    W2 = glorot(ks[4], D_H, D_H)
    b2 = jnp.zeros((D_H,), dtype=jnp.float32)
    W3 = glorot(ks[5], D_H, D_H)
    b3 = jnp.zeros((D_H,), dtype=jnp.float32)
    fc_W = glorot(ks[6], D_H, D_OUT)
    fc_b = jnp.zeros((D_OUT,), dtype=jnp.float32)
    return {"x": x, "edge_index": edge_index, "batch": batch,
            "W1": W1, "b1": b1, "W2": W2, "b2": b2, "W3": W3, "b3": b3,
            "fc_W": fc_W, "fc_b": fc_b}


def _gcn_conv(x, src, dst, W, b, num_nodes):
    # GCNConv: x @ W, symmetric-normalized aggregation (self-loops already in src/dst), + bias
    h = x @ W
    ones = jnp.ones(src.shape[0], dtype=h.dtype)
    deg = jax.ops.segment_sum(ones, dst, num_segments=num_nodes)
    dinv = jnp.where(deg > 0, jax.lax.rsqrt(deg), 0.0)
    norm = dinv[src] * dinv[dst]
    msg = h[src] * norm[:, None]
    out = jax.ops.segment_sum(msg, dst, num_segments=num_nodes)
    return out + b


def reference(x, edge_index, batch, W1, b1, W2, b2, W3, b3, fc_W, fc_b):
    num_nodes = x.shape[0]
    loop = jnp.arange(num_nodes, dtype=edge_index.dtype)
    src = jnp.concatenate([edge_index[0], loop])
    dst = jnp.concatenate([edge_index[1], loop])
    h = x
    for (W, b) in ((W1, b1), (W2, b2), (W3, b3)):
        h = jax.nn.relu(_gcn_conv(h, src, dst, W, b, num_nodes))
        # dropout is identity in eval mode
    # global_mean_pool over batch segment ids
    sums = jax.ops.segment_sum(h, batch, num_segments=N_GRAPHS)
    counts = jax.ops.segment_sum(jnp.ones((num_nodes,), dtype=h.dtype), batch, num_segments=N_GRAPHS)
    pooled = sums / jnp.maximum(counts, 1.0)[:, None]
    return pooled @ fc_W + fc_b

if __name__ == "__main__":
    import jax
    _d = setup_inputs()
    print(jax.jit(kernel)(*tuple(_d.values())))

</pallas_src>

<mosaic_0001>
#map = affine_map<(d0, d1) -> (0, 0)>
#map1 = affine_map<(d0, d1) -> (0, 0, 0)>
module attributes {stable_mosaic.version = 14 : i64} {
  func.func @k(%arg0: i32, %arg1: i32, %arg2: memref<10240x128xf32, #tpu.memory_space<hbm>>, %arg3: memref<32x96x128xi32, #tpu.memory_space<hbm>>, %arg4: memref<32x96x128xi32, #tpu.memory_space<hbm>>, %arg5: memref<2x10240x128xf32, #tpu.memory_space<hbm>>, %arg6: memref<96x128xi32, #tpu.memory_space<vmem>>, %arg7: memref<96x128xi32, #tpu.memory_space<vmem>>, %arg8: memref<128x128xf32, #tpu.memory_space<vmem>>, %arg9: memref<16x128xf32, #tpu.memory_space<vmem>>, %arg10: memref<10240x128xf32, #tpu.memory_space<vmem_shared>>, %arg11: memref<!tpu.dma_semaphore, #tpu.memory_space<semaphore_mem>>) attributes {dimension_semantics = [#tpu.dimension_semantics<core_parallel>, #tpu.dimension_semantics<subcore_parallel>], iteration_bounds = array<i64: 2, 16>, scalar_prefetch = 0 : i64, scratch_operands = 6 : i64, tpu.core_type = #tpu.core_type<sc_vector_subcore>, window_params = [{transform_indices = #map}, {transform_indices = #map1}, {transform_indices = #map1}, {transform_indices = #map1}]} {
    %mul3A = arith.constant 2 : i32
    %mul3A_0 = arith.muli %arg1, %mul3A : i32
    %add3A = arith.addi %mul3A_0, %arg0 : i32
    "tpu.region"() ({
      %run_scoped3A = tpu.sem_alloc : memref<!tpu.dma_semaphore, #tpu.memory_space<semaphore_mem>>
      %dma_start3A = arith.constant 0 : i32
      %dma_start3A_33 = arith.constant 0 : i32
      %dma_start3A_34 = tpu.memref_slice %arg3[%add3A, %dma_start3A, %dma_start3A_33] : memref<32x96x128xi32, #tpu.memory_space<hbm>> -> memref<1x96x128xi32, #tpu.memory_space<hbm>>
      %dma_start3A_35 = tpu.memref_squeeze %dma_start3A_34 : memref<1x96x128xi32, #tpu.memory_space<hbm>> -> memref<96x128xi32, #tpu.memory_space<hbm>>
      %dma_start3A_36 = arith.constant 0 : i32
      %dma_start3A_37 = arith.constant 0 : i32
      %dma_start3A_38 = tpu.memref_slice %arg3[%add3A, %dma_start3A_36, %dma_start3A_37] : memref<32x96x128xi32, #tpu.memory_space<hbm>> -> memref<1x96x128xi32, #tpu.memory_space<hbm>>
      %dma_start3A_39 = tpu.memref_squeeze %dma_start3A_38 : memref<1x96x128xi32, #tpu.memory_space<hbm>> -> memref<96x128xi32, #tpu.memory_space<hbm>>
      tpu.enqueue_dma source(%dma_start3A_39 : memref<96x128xi32, #tpu.memory_space<hbm>>) target(%arg6 : memref<96x128xi32, #tpu.memory_space<vmem>>) target_semaphore(%run_scoped3A : memref<!tpu.dma_semaphore, #tpu.memory_space<semaphore_mem>>)
      %dma_wait3A = arith.constant 0 : i32
      %dma_wait3A_40 = arith.constant 0 : i32
      %dma_wait3A_41 = tpu.memref_slice %arg3[%add3A, %dma_wait3A, %dma_wait3A_40] : memref<32x96x128xi32, #tpu.memory_space<hbm>> -> memref<1x96x128xi32, #tpu.memory_space<hbm>>
      %dma_wait3A_42 = tpu.memref_squeeze %dma_wait3A_41 : memref<1x96x128xi32, #tpu.memory_space<hbm>> -> memref<96x128xi32, #tpu.memory_space<hbm>>
      %dma_wait3A_43 = arith.constant 0 : i32
      %dma_wait3A_44 = arith.constant 0 : i32
      %dma_wait3A_45 = tpu.memref_slice %arg3[%add3A, %dma_wait3A_43, %dma_wait3A_44] : memref<32x96x128xi32, #tpu.memory_space<hbm>> -> memref<1x96x128xi32, #tpu.memory_space<hbm>>
      %dma_wait3A_46 = tpu.memref_squeeze %dma_wait3A_45 : memref<1x96x128xi32, #tpu.memory_space<hbm>> -> memref<96x128xi32, #tpu.memory_space<hbm>>
      tpu.wait_dma2 semaphore(%run_scoped3A : memref<!tpu.dma_semaphore, #tpu.memory_space<semaphore_mem>>) src(%dma_wait3A_46 : memref<96x128xi32, #tpu.memory_space<hbm>>) dst(%arg6 : memref<96x128xi32, #tpu.memory_space<vmem>>)
      tpu.yield
    }) : () -> ()
    "tpu.region"() ({
      %run_scoped3A = tpu.sem_alloc : memref<!tpu.dma_semaphore, #tpu.memory_space<semaphore_mem>>
      %dma_start3A = arith.constant 0 : i32
      %dma_start3A_33 = arith.constant 0 : i32
      %dma_start3A_34 = tpu.memref_slice %arg4[%add3A, %dma_start3A, %dma_start3A_33] : memref<32x96x128xi32, #tpu.memory_space<hbm>> -> memref<1x96x128xi32, #tpu.memory_space<hbm>>
      %dma_start3A_35 = tpu.memref_squeeze %dma_start3A_34 : memref<1x96x128xi32, #tpu.memory_space<hbm>> -> memref<96x128xi32, #tpu.memory_space<hbm>>
      %dma_start3A_36 = arith.constant 0 : i32
      %dma_start3A_37 = arith.constant 0 : i32
      %dma_start3A_38 = tpu.memref_slice %arg4[%add3A, %dma_start3A_36, %dma_start3A_37] : memref<32x96x128xi32, #tpu.memory_space<hbm>> -> memref<1x96x128xi32, #tpu.memory_space<hbm>>
      %dma_start3A_39 = tpu.memref_squeeze %dma_start3A_38 : memref<1x96x128xi32, #tpu.memory_space<hbm>> -> memref<96x128xi32, #tpu.memory_space<hbm>>
      tpu.enqueue_dma source(%dma_start3A_39 : memref<96x128xi32, #tpu.memory_space<hbm>>) target(%arg7 : memref<96x128xi32, #tpu.memory_space<vmem>>) target_semaphore(%run_scoped3A : memref<!tpu.dma_semaphore, #tpu.memory_space<semaphore_mem>>)
      %dma_wait3A = arith.constant 0 : i32
      %dma_wait3A_40 = arith.constant 0 : i32
      %dma_wait3A_41 = tpu.memref_slice %arg4[%add3A, %dma_wait3A, %dma_wait3A_40] : memref<32x96x128xi32, #tpu.memory_space<hbm>> -> memref<1x96x128xi32, #tpu.memory_space<hbm>>
      %dma_wait3A_42 = tpu.memref_squeeze %dma_wait3A_41 : memref<1x96x128xi32, #tpu.memory_space<hbm>> -> memref<96x128xi32, #tpu.memory_space<hbm>>
      %dma_wait3A_43 = arith.constant 0 : i32
      %dma_wait3A_44 = arith.constant 0 : i32
      %dma_wait3A_45 = tpu.memref_slice %arg4[%add3A, %dma_wait3A_43, %dma_wait3A_44] : memref<32x96x128xi32, #tpu.memory_space<hbm>> -> memref<1x96x128xi32, #tpu.memory_space<hbm>>
      %dma_wait3A_46 = tpu.memref_squeeze %dma_wait3A_45 : memref<1x96x128xi32, #tpu.memory_space<hbm>> -> memref<96x128xi32, #tpu.memory_space<hbm>>
      tpu.wait_dma2 semaphore(%run_scoped3A : memref<!tpu.dma_semaphore, #tpu.memory_space<semaphore_mem>>) src(%dma_wait3A_46 : memref<96x128xi32, #tpu.memory_space<hbm>>) dst(%arg7 : memref<96x128xi32, #tpu.memory_space<vmem>>)
      tpu.yield
    }) : () -> ()
    %broadcast_in_dim3A = arith.constant 0.000000e+00 : f32
    %broadcast_in_dim3A_1 = vector.broadcast %broadcast_in_dim3A : f32 to vector<16xf32>
    %scan3A = arith.constant 0 : i32
    %scan3A_2 = arith.constant 0 : i32
    %scan3A_3 = arith.constant 128 : i32
    %scan3A_4 = arith.addi %scan3A_2, %scan3A_3 : i32
    %scan3A_5 = arith.constant 1 : i32
    %scan3A_6 = scf.for %scan3A_33 = %scan3A_2 to %scan3A_4 step %scan3A_5 iter_args(%scan3A_34 = %scan3A) -> (i32)  : i32 {
      %jit3A_35 = arith.constant 8 : i32
      %div3A = arith.divsi %scan3A_33, %jit3A_35 : i32
      %sign3A = arith.constant 0 : i32
      %sign3A_36 = arith.cmpi sgt, %scan3A_33, %sign3A : i32
      %sign3A_37 = arith.extui %sign3A_36 : i1 to i32
      %sign3A_38 = arith.constant 0 : i32
      %sign3A_39 = arith.cmpi slt, %scan3A_33, %sign3A_38 : i32
      %sign3A_40 = arith.extui %sign3A_39 : i1 to i32
      %sign3A_41 = arith.subi %sign3A_37, %sign3A_40 : i32
      %sign3A_42 = arith.constant 0 : i32
      %sign3A_43 = arith.cmpi sgt, %jit3A_35, %sign3A_42 : i32
      %sign3A_44 = arith.extui %sign3A_43 : i1 to i32
      %sign3A_45 = arith.constant 0 : i32
      %sign3A_46 = arith.cmpi slt, %jit3A_35, %sign3A_45 : i32
      %sign3A_47 = arith.extui %sign3A_46 : i1 to i32
      %sign3A_48 = arith.subi %sign3A_44, %sign3A_47 : i32
      %ne3A = arith.cmpi ne, %sign3A_41, %sign3A_48 : i32
      %rem3A = arith.remsi %scan3A_33, %jit3A_35 : i32
      %ne3A_49 = arith.constant 0 : i32
      %ne3A_50 = arith.cmpi ne, %rem3A, %ne3A_49 : i32
      %and3A = arith.andi %ne3A, %ne3A_50 : i1
      %sub3A = arith.constant 1 : i32
      %sub3A_51 = arith.subi %div3A, %sub3A : i32
      %select_n3A_52 = arith.select %and3A, %sub3A_51, %div3A : i32
      %jit3A_53 = arith.constant 8 : i32
      %eq3A_54 = arith.constant 0 : i32
      %eq3A_55 = arith.cmpi eq, %jit3A_53, %eq3A_54 : i32
      %jit3A_56 = arith.constant 1 : i32
      %select_n3A_57 = arith.select %eq3A_55, %jit3A_56, %jit3A_53 : i32
      %rem3A_58 = arith.remsi %scan3A_33, %select_n3A_57 : i32
      %ne3A_59 = arith.constant 0 : i32
      %ne3A_60 = arith.cmpi ne, %rem3A_58, %ne3A_59 : i32
      %lt3A = arith.constant 0 : i32
      %lt3A_61 = arith.cmpi slt, %rem3A_58, %lt3A : i32
      %lt3A_62 = arith.constant 0 : i32
      %lt3A_63 = arith.cmpi slt, %select_n3A_57, %lt3A_62 : i32
      %ne3A_64 = arith.xori %lt3A_61, %lt3A_63 : i1
      %and3A_65 = arith.andi %ne3A_64, %ne3A_60 : i1
      %add3A_66 = arith.addi %rem3A_58, %select_n3A_57 : i32
      %select_n3A_67 = arith.select %and3A_65, %add3A_66, %rem3A_58 : i32
      %mul3A_68 = arith.constant 16 : i32
      %mul3A_69 = arith.muli %select_n3A_67, %mul3A_68 : i32
      %swap3A = arith.index_cast %select_n3A_52 : i32 to index
      %swap3A_70 = arith.index_cast %mul3A_69 : i32 to index
      %swap3A_71 = tpu.vector_load %arg9[%swap3A, %swap3A_70] {strides = array<i32>} : memref<16x128xf32, #tpu.memory_space<vmem>>, vector<16xf32>,
      tpu.vector_store %arg9[%swap3A, %swap3A_70], %broadcast_in_dim3A_1 {strides = array<i32>} : memref<16x128xf32, #tpu.memory_space<vmem>>, vector<16xf32>,
      %scan3A_72 = arith.constant 0 : i32
      scf.yield %scan3A_72 : i32
    }
    %scan3A_7 = arith.constant 128 : i32
    %scan3A_8 = arith.constant 0 : i32
    %scan3A_9 = arith.constant 0 : i32
    %scan3A_10 = arith.constant 40 : i32
    %scan3A_11 = arith.addi %scan3A_9, %scan3A_10 : i32
    %scan3A_12 = arith.constant 1 : i32
    %scan3A_13 = scf.for %scan3A_33 = %scan3A_9 to %scan3A_11 step %scan3A_12 iter_args(%scan3A_34 = %scan3A_8) -> (i32)  : i32 {
      %mul3A_35 = arith.constant 640 : i32
      %mul3A_36 = arith.muli %arg1, %mul3A_35 : i32
      %mul3A_37 = arith.constant 16 : i32
      %mul3A_38 = arith.muli %scan3A_33, %mul3A_37 : i32
      %add3A_39 = arith.addi %mul3A_36, %mul3A_38 : i32
      "tpu.region"() ({
        %run_scoped3A = tpu.sem_alloc : memref<!tpu.dma_semaphore, #tpu.memory_space<semaphore_mem>>
        %dma_start3A = arith.constant 0 : i32
        %dma_start3A_41 = tpu.memref_slice %arg10[%add3A_39, %dma_start3A] : memref<10240x128xf32, #tpu.memory_space<vmem_shared>> -> memref<16x128xf32, #tpu.memory_space<vmem_shared>>
        %dma_start3A_42 = arith.constant 0 : i32
        %dma_start3A_43 = tpu.memref_slice %arg10[%add3A_39, %dma_start3A_42] : memref<10240x128xf32, #tpu.memory_space<vmem_shared>> -> memref<16x128xf32, #tpu.memory_space<vmem_shared>>
        tpu.enqueue_dma source(%arg9 : memref<16x128xf32, #tpu.memory_space<vmem>>) target(%dma_start3A_43 : memref<16x128xf32, #tpu.memory_space<vmem_shared>>) target_semaphore(%run_scoped3A : memref<!tpu.dma_semaphore, #tpu.memory_space<semaphore_mem>>)
        %dma_wait3A = arith.constant 0 : i32
        %dma_wait3A_44 = tpu.memref_slice %arg10[%add3A_39, %dma_wait3A] : memref<10240x128xf32, #tpu.memory_space<vmem_shared>> -> memref<16x128xf32, #tpu.memory_space<vmem_shared>>
        %dma_wait3A_45 = arith.constant 0 : i32
        %dma_wait3A_46 = tpu.memref_slice %arg10[%add3A_39, %dma_wait3A_45] : memref<10240x128xf32, #tpu.memory_space<vmem_shared>> -> memref<16x128xf32, #tpu.memory_space<vmem_shared>>
        tpu.wait_dma2 semaphore(%run_scoped3A : memref<!tpu.dma_semaphore, #tpu.memory_space<semaphore_mem>>) src(%arg9 : memref<16x128xf32, #tpu.memory_space<vmem>>) dst(%dma_wait3A_46 : memref<16x128xf32, #tpu.memory_space<vmem_shared>>)
        tpu.yield
      }) : () -> ()
      %scan3A_40 = arith.constant 0 : i32
      scf.yield %scan3A_40 : i32
    }
    %scan3A_14 = arith.constant 40 : i32
    %barrier3A = arith.constant 0 : index
    tpu.barrier barrier_id(%barrier3A)
    %eq3A = arith.constant 0 : i32
    %eq3A_15 = arith.cmpi eq, %arg0, %eq3A : i32
    %jit3A = arith.constant 96 : i32
    %jit3A_16 = arith.constant 66 : i32
    %select_n3A = arith.select %eq3A_15, %jit3A, %jit3A_16 : i32
    %while3A = arith.constant 0 : i32
    %while3A_17 = arith.constant 0 : i32
    %while3A_18 = arith.subi %select_n3A, %while3A : i32
    %while3A_19 = arith.addi %while3A, %while3A_18 : i32
    %while3A_20 = arith.constant 1 : i32
    %while3A_21 = arith.divsi %while3A_18, %while3A_20 : i32
    %while3A_22 = arith.muli %while3A_21, %while3A_20 : i32
    %while3A_23 = arith.addi %while3A, %while3A_22 : i32
    %while3A_24 = arith.constant 1 : i32
    %while3A_25 = scf.for %while3A_33 = %while3A to %while3A_23 step %while3A_24 iter_args(%while3A_34 = %while3A_17) -> (i32)  : i32 {
      %dma_start3A = arith.constant 0 : i32
      %dma_start3A_35 = tpu.memref_slice %arg6[%while3A_33, %dma_start3A] : memref<96x128xi32, #tpu.memory_space<vmem>> -> memref<1x128xi32, #tpu.memory_space<vmem>>
      %dma_start3A_36 = tpu.memref_squeeze %dma_start3A_35 : memref<1x128xi32, #tpu.memory_space<vmem>> -> memref<128xi32, #tpu.memory_space<vmem>>
      %dma_start3A_37 = arith.constant 0 : i32
      %dma_start3A_38 = arith.constant 0 : i32
      %dma_start3A_39 = tpu.memref_slice %arg2[%dma_start3A_37, %dma_start3A_38] : memref<10240x128xf32, #tpu.memory_space<hbm>> -> memref<10240x128xf32, #tpu.memory_space<hbm>>
      tpu.enqueue_indirect_dma source(%dma_start3A_39 : memref<10240x128xf32, #tpu.memory_space<hbm>>) target(%arg8 : memref<128x128xf32, #tpu.memory_space<vmem>>) offsets(%dma_start3A_36 : memref<128xi32, #tpu.memory_space<vmem>>) semaphore(%arg11 : memref<!tpu.dma_semaphore, #tpu.memory_space<semaphore_mem>>)
      %dma_wait3A = arith.constant 0 : i32
      %dma_wait3A_40 = tpu.memref_slice %arg6[%while3A_33, %dma_wait3A] : memref<96x128xi32, #tpu.memory_space<vmem>> -> memref<1x128xi32, #tpu.memory_space<vmem>>
      %dma_wait3A_41 = tpu.memref_squeeze %dma_wait3A_40 : memref<1x128xi32, #tpu.memory_space<vmem>> -> memref<128xi32, #tpu.memory_space<vmem>>
      %dma_wait3A_42 = arith.constant 0 : i32
      %dma_wait3A_43 = arith.constant 0 : i32
      %dma_wait3A_44 = tpu.memref_slice %arg2[%dma_wait3A_42, %dma_wait3A_43] : memref<10240x128xf32, #tpu.memory_space<hbm>> -> memref<10240x128xf32, #tpu.memory_space<hbm>>
      tpu.wait_indirect_dma semaphore(%arg11 : memref<!tpu.dma_semaphore, #tpu.memory_space<semaphore_mem>>) src(%dma_wait3A_44 : memref<10240x128xf32, #tpu.memory_space<hbm>>) dst(%arg8 : memref<128x128xf32, #tpu.memory_space<vmem>>)
      "tpu.region"() ({
        %run_scoped3A = tpu.sem_alloc : memref<!tpu.dma_semaphore, #tpu.memory_space<semaphore_mem>>
        %dma_start3A_46 = arith.constant 0 : i32
        %dma_start3A_47 = tpu.memref_slice %arg7[%while3A_33, %dma_start3A_46] : memref<96x128xi32, #tpu.memory_space<vmem>> -> memref<1x128xi32, #tpu.memory_space<vmem>>
        %dma_start3A_48 = tpu.memref_squeeze %dma_start3A_47 : memref<1x128xi32, #tpu.memory_space<vmem>> -> memref<128xi32, #tpu.memory_space<vmem>>
        %dma_start3A_49 = arith.constant 0 : i32
        %dma_start3A_50 = arith.constant 0 : i32
        %dma_start3A_51 = tpu.memref_slice %arg10[%dma_start3A_49, %dma_start3A_50] : memref<10240x128xf32, #tpu.memory_space<vmem_shared>> -> memref<10240x128xf32, #tpu.memory_space<vmem_shared>>
        tpu.enqueue_indirect_dma source(%arg8 : memref<128x128xf32, #tpu.memory_space<vmem>>) target(%dma_start3A_51 : memref<10240x128xf32, #tpu.memory_space<vmem_shared>>) offsets(%dma_start3A_48 : memref<128xi32, #tpu.memory_space<vmem>>) semaphore(%run_scoped3A : memref<!tpu.dma_semaphore, #tpu.memory_space<semaphore_mem>>) {add = true}
        %dma_wait3A_52 = arith.constant 0 : i32
        %dma_wait3A_53 = tpu.memref_slice %arg7[%while3A_33, %dma_wait3A_52] : memref<96x128xi32, #tpu.memory_space<vmem>> -> memref<1x128xi32, #tpu.memory_space<vmem>>
        %dma_wait3A_54 = tpu.memref_squeeze %dma_wait3A_53 : memref<1x128xi32, #tpu.memory_space<vmem>> -> memref<128xi32, #tpu.memory_space<vmem>>
        %dma_wait3A_55 = arith.constant 0 : i32
        %dma_wait3A_56 = arith.constant 0 : i32
        %dma_wait3A_57 = tpu.memref_slice %arg10[%dma_wait3A_55, %dma_wait3A_56] : memref<10240x128xf32, #tpu.memory_space<vmem_shared>> -> memref<10240x128xf32, #tpu.memory_space<vmem_shared>>
        tpu.wait_indirect_dma semaphore(%run_scoped3A : memref<!tpu.dma_semaphore, #tpu.memory_space<semaphore_mem>>) src(%arg8 : memref<128x128xf32, #tpu.memory_space<vmem>>) dst(%dma_wait3A_57 : memref<10240x128xf32, #tpu.memory_space<vmem_shared>>)
        tpu.yield
      }) : () -> ()
      %while3A_45 = arith.constant 0 : i32
      scf.yield %while3A_45 : i32
    }
    %while3A_26 = arith.constant 1 : i32
    %while3A_27 = scf.for %while3A_33 = %while3A_23 to %while3A_19 step %while3A_26 iter_args(%while3A_34 = %while3A_25) -> (i32)  : i32 {
      %dma_start3A = arith.constant 0 : i32
      %dma_start3A_35 = tpu.memref_slice %arg6[%while3A_33, %dma_start3A] : memref<96x128xi32, #tpu.memory_space<vmem>> -> memref<1x128xi32, #tpu.memory_space<vmem>>
      %dma_start3A_36 = tpu.memref_squeeze %dma_start3A_35 : memref<1x128xi32, #tpu.memory_space<vmem>> -> memref<128xi32, #tpu.memory_space<vmem>>
      %dma_start3A_37 = arith.constant 0 : i32
      %dma_start3A_38 = arith.constant 0 : i32
      %dma_start3A_39 = tpu.memref_slice %arg2[%dma_start3A_37, %dma_start3A_38] : memref<10240x128xf32, #tpu.memory_space<hbm>> -> memref<10240x128xf32, #tpu.memory_space<hbm>>
      tpu.enqueue_indirect_dma source(%dma_start3A_39 : memref<10240x128xf32, #tpu.memory_space<hbm>>) target(%arg8 : memref<128x128xf32, #tpu.memory_space<vmem>>) offsets(%dma_start3A_36 : memref<128xi32, #tpu.memory_space<vmem>>) semaphore(%arg11 : memref<!tpu.dma_semaphore, #tpu.memory_space<semaphore_mem>>)
      %dma_wait3A = arith.constant 0 : i32
      %dma_wait3A_40 = tpu.memref_slice %arg6[%while3A_33, %dma_wait3A] : memref<96x128xi32, #tpu.memory_space<vmem>> -> memref<1x128xi32, #tpu.memory_space<vmem>>
      %dma_wait3A_41 = tpu.memref_squeeze %dma_wait3A_40 : memref<1x128xi32, #tpu.memory_space<vmem>> -> memref<128xi32, #tpu.memory_space<vmem>>
      %dma_wait3A_42 = arith.constant 0 : i32
      %dma_wait3A_43 = arith.constant 0 : i32
      %dma_wait3A_44 = tpu.memref_slice %arg2[%dma_wait3A_42, %dma_wait3A_43] : memref<10240x128xf32, #tpu.memory_space<hbm>> -> memref<10240x128xf32, #tpu.memory_space<hbm>>
      tpu.wait_indirect_dma semaphore(%arg11 : memref<!tpu.dma_semaphore, #tpu.memory_space<semaphore_mem>>) src(%dma_wait3A_44 : memref<10240x128xf32, #tpu.memory_space<hbm>>) dst(%arg8 : memref<128x128xf32, #tpu.memory_space<vmem>>)
      "tpu.region"() ({
        %run_scoped3A = tpu.sem_alloc : memref<!tpu.dma_semaphore, #tpu.memory_space<semaphore_mem>>
        %dma_start3A_46 = arith.constant 0 : i32
        %dma_start3A_47 = tpu.memref_slice %arg7[%while3A_33, %dma_start3A_46] : memref<96x128xi32, #tpu.memory_space<vmem>> -> memref<1x128xi32, #tpu.memory_space<vmem>>
        %dma_start3A_48 = tpu.memref_squeeze %dma_start3A_47 : memref<1x128xi32, #tpu.memory_space<vmem>> -> memref<128xi32, #tpu.memory_space<vmem>>
        %dma_start3A_49 = arith.constant 0 : i32
        %dma_start3A_50 = arith.constant 0 : i32
        %dma_start3A_51 = tpu.memref_slice %arg10[%dma_start3A_49, %dma_start3A_50] : memref<10240x128xf32, #tpu.memory_space<vmem_shared>> -> memref<10240x128xf32, #tpu.memory_space<vmem_shared>>
        tpu.enqueue_indirect_dma source(%arg8 : memref<128x128xf32, #tpu.memory_space<vmem>>) target(%dma_start3A_51 : memref<10240x128xf32, #tpu.memory_space<vmem_shared>>) offsets(%dma_start3A_48 : memref<128xi32, #tpu.memory_space<vmem>>) semaphore(%run_scoped3A : memref<!tpu.dma_semaphore, #tpu.memory_space<semaphore_mem>>) {add = true}
        %dma_wait3A_52 = arith.constant 0 : i32
        %dma_wait3A_53 = tpu.memref_slice %arg7[%while3A_33, %dma_wait3A_52] : memref<96x128xi32, #tpu.memory_space<vmem>> -> memref<1x128xi32, #tpu.memory_space<vmem>>
        %dma_wait3A_54 = tpu.memref_squeeze %dma_wait3A_53 : memref<1x128xi32, #tpu.memory_space<vmem>> -> memref<128xi32, #tpu.memory_space<vmem>>
        %dma_wait3A_55 = arith.constant 0 : i32
        %dma_wait3A_56 = arith.constant 0 : i32
        %dma_wait3A_57 = tpu.memref_slice %arg10[%dma_wait3A_55, %dma_wait3A_56] : memref<10240x128xf32, #tpu.memory_space<vmem_shared>> -> memref<10240x128xf32, #tpu.memory_space<vmem_shared>>
        tpu.wait_indirect_dma semaphore(%run_scoped3A : memref<!tpu.dma_semaphore, #tpu.memory_space<semaphore_mem>>) src(%arg8 : memref<128x128xf32, #tpu.memory_space<vmem>>) dst(%dma_wait3A_57 : memref<10240x128xf32, #tpu.memory_space<vmem_shared>>)
        tpu.yield
      }) : () -> ()
      %while3A_45 = arith.constant 0 : i32
      scf.yield %while3A_45 : i32
    }
    %barrier3A_28 = arith.constant 0 : index
    tpu.barrier barrier_id(%barrier3A_28)
    %mul3A_29 = arith.constant 640 : i32
    %mul3A_30 = arith.muli %arg1, %mul3A_29 : i32
    %mul3A_31 = arith.constant 640 : i32
    %mul3A_32 = arith.muli %arg1, %mul3A_31 : i32
    "tpu.region"() ({
      %run_scoped3A = tpu.sem_alloc : memref<!tpu.dma_semaphore, #tpu.memory_space<semaphore_mem>>
      %dma_start3A = arith.constant 0 : i32
      %dma_start3A_33 = tpu.memref_slice %arg5[%arg0, %mul3A_32, %dma_start3A] : memref<2x10240x128xf32, #tpu.memory_space<hbm>> -> memref<1x640x128xf32, #tpu.memory_space<hbm>>
      %dma_start3A_34 = tpu.memref_squeeze %dma_start3A_33 : memref<1x640x128xf32, #tpu.memory_space<hbm>> -> memref<640x128xf32, #tpu.memory_space<hbm>>
      %dma_start3A_35 = arith.constant 0 : i32
      %dma_start3A_36 = tpu.memref_slice %arg10[%mul3A_30, %dma_start3A_35] : memref<10240x128xf32, #tpu.memory_space<vmem_shared>> -> memref<640x128xf32, #tpu.memory_space<vmem_shared>>
      tpu.enqueue_dma source(%dma_start3A_36 : memref<640x128xf32, #tpu.memory_space<vmem_shared>>) target(%dma_start3A_34 : memref<640x128xf32, #tpu.memory_space<hbm>>) target_semaphore(%run_scoped3A : memref<!tpu.dma_semaphore, #tpu.memory_space<semaphore_mem>>)
      %dma_wait3A = arith.constant 0 : i32
      %dma_wait3A_37 = tpu.memref_slice %arg5[%arg0, %mul3A_32, %dma_wait3A] : memref<2x10240x128xf32, #tpu.memory_space<hbm>> -> memref<1x640x128xf32, #tpu.memory_space<hbm>>
      %dma_wait3A_38 = tpu.memref_squeeze %dma_wait3A_37 : memref<1x640x128xf32, #tpu.memory_space<hbm>> -> memref<640x128xf32, #tpu.memory_space<hbm>>
      %dma_wait3A_39 = arith.constant 0 : i32
      %dma_wait3A_40 = tpu.memref_slice %arg10[%mul3A_30, %dma_wait3A_39] : memref<10240x128xf32, #tpu.memory_space<vmem_shared>> -> memref<640x128xf32, #tpu.memory_space<vmem_shared>>
      tpu.wait_dma2 semaphore(%run_scoped3A : memref<!tpu.dma_semaphore, #tpu.memory_space<semaphore_mem>>) src(%dma_wait3A_40 : memref<640x128xf32, #tpu.memory_space<vmem_shared>>) dst(%dma_wait3A_38 : memref<640x128xf32, #tpu.memory_space<hbm>>)
      tpu.yield
    }) : () -> ()
    return
  }
}

#map = affine_map<(d0, d1) -> (0, 0)>
#map1 = affine_map<(d0, d1) -> (0)>
module attributes {stable_mosaic.version = 14 : i64} {
  func.func @k(%arg0: i32, %arg1: i32, %arg2: memref<32x12288xi32, #tpu.memory_space<hbm>>, %arg3: memref<20480xf32, #tpu.memory_space<hbm>>, %arg4: memref<12288xi32, #tpu.memory_space<vmem>>, %arg5: memref<10240xf32, #tpu.memory_space<vmem>>, %arg6: memref<1024xf32, #tpu.memory_space<vmem>>, %arg7: memref<1024xf32, #tpu.memory_space<vmem>>, %arg8: memref<16x10240xf32, #tpu.memory_space<vmem_shared>>) attributes {dimension_semantics = [#tpu.dimension_semantics<core_parallel>, #tpu.dimension_semantics<subcore_parallel>], iteration_bounds = array<i64: 2, 16>, scalar_prefetch = 0 : i64, scratch_operands = 5 : i64, tpu.core_type = #tpu.core_type<sc_vector_subcore>, window_params = [{transform_indices = #map}, {transform_indices = #map1}]} {
    %mul3A = arith.constant 2 : i32
    %mul3A_0 = arith.muli %arg1, %mul3A : i32
    %add3A = arith.addi %mul3A_0, %arg0 : i32
    "tpu.region"() ({
      %run_scoped3A = tpu.sem_alloc : memref<!tpu.dma_semaphore, #tpu.memory_space<semaphore_mem>>
      %dma_start3A = arith.constant 0 : i32
      %dma_start3A_19 = tpu.memref_slice %arg2[%add3A, %dma_start3A] : memref<32x12288xi32, #tpu.memory_space<hbm>> -> memref<1x12288xi32, #tpu.memory_space<hbm>>
      %dma_start3A_20 = tpu.memref_squeeze %dma_start3A_19 : memref<1x12288xi32, #tpu.memory_space<hbm>> -> memref<12288xi32, #tpu.memory_space<hbm>>
      %dma_start3A_21 = arith.constant 0 : i32
      %dma_start3A_22 = tpu.memref_slice %arg2[%add3A, %dma_start3A_21] : memref<32x12288xi32, #tpu.memory_space<hbm>> -> memref<1x12288xi32, #tpu.memory_space<hbm>>
      %dma_start3A_23 = tpu.memref_squeeze %dma_start3A_22 : memref<1x12288xi32, #tpu.memory_space<hbm>> -> memref<12288xi32, #tpu.memory_space<hbm>>
      tpu.enqueue_dma source(%dma_start3A_23 : memref<12288xi32, #tpu.memory_space<hbm>>) target(%arg4 : memref<12288xi32, #tpu.memory_space<vmem>>) target_semaphore(%run_scoped3A : memref<!tpu.dma_semaphore, #tpu.memory_space<semaphore_mem>>)
      %dma_wait3A = arith.constant 0 : i32
      %dma_wait3A_24 = tpu.memref_slice %arg2[%add3A, %dma_wait3A] : memref<32x12288xi32, #tpu.memory_space<hbm>> -> memref<1x12288xi32, #tpu.memory_space<hbm>>
      %dma_wait3A_25 = tpu.memref_squeeze %dma_wait3A_24 : memref<1x12288xi32, #tpu.memory_space<hbm>> -> memref<12288xi32, #tpu.memory_space<hbm>>
      %dma_wait3A_26 = arith.constant 0 : i32
      %dma_wait3A_27 = tpu.memref_slice %arg2[%add3A, %dma_wait3A_26] : memref<32x12288xi32, #tpu.memory_space<hbm>> -> memref<1x12288xi32, #tpu.memory_space<hbm>>
      %dma_wait3A_28 = tpu.memref_squeeze %dma_wait3A_27 : memref<1x12288xi32, #tpu.memory_space<hbm>> -> memref<12288xi32, #tpu.memory_space<hbm>>
      tpu.wait_dma2 semaphore(%run_scoped3A : memref<!tpu.dma_semaphore, #tpu.memory_space<semaphore_mem>>) src(%dma_wait3A_28 : memref<12288xi32, #tpu.memory_space<hbm>>) dst(%arg4 : memref<12288xi32, #tpu.memory_space<vmem>>)
      tpu.yield
    }) : () -> ()
    %broadcast_in_dim3A = arith.constant 0.000000e+00 : f32
    %broadcast_in_dim3A_1 = vector.broadcast %broadcast_in_dim3A : f32 to vector<16xf32>
    %scan3A = arith.constant 0 : i32
    %scan3A_2 = arith.constant 0 : i32
    %scan3A_3 = arith.constant 640 : i32
    %scan3A_4 = arith.addi %scan3A_2, %scan3A_3 : i32
    %scan3A_5 = arith.constant 1 : i32
    %scan3A_6 = scf.for %scan3A_19 = %scan3A_2 to %scan3A_4 step %scan3A_5 iter_args(%scan3A_20 = %scan3A) -> (i32)  : i32 {
      %mul3A_21 = arith.constant 16 : i32
      %mul3A_22 = arith.muli %scan3A_19, %mul3A_21 : i32
      %swap3A = arith.index_cast %mul3A_22 : i32 to index
      %swap3A_23 = tpu.vector_load %arg5[%swap3A] {strides = array<i32>} : memref<10240xf32, #tpu.memory_space<vmem>>, vector<16xf32>,
      tpu.vector_store %arg5[%swap3A], %broadcast_in_dim3A_1 {strides = array<i32>} : memref<10240xf32, #tpu.memory_space<vmem>>, vector<16xf32>,
      %scan3A_24 = arith.constant 0 : i32
      scf.yield %scan3A_24 : i32
    }
    %scan3A_7 = arith.constant 640 : i32
    %broadcast_in_dim3A_8 = arith.constant 1.000000e+00 : f32
    %broadcast_in_dim3A_9 = vector.broadcast %broadcast_in_dim3A_8 : f32 to vector<16xf32>
    %scan3A_10 = arith.constant 0 : i32
    %scan3A_11 = arith.constant 0 : i32
    %scan3A_12 = arith.constant 768 : i32
    %scan3A_13 = arith.addi %scan3A_11, %scan3A_12 : i32
    %scan3A_14 = arith.constant 1 : i32
    %scan3A_15 = scf.for %scan3A_19 = %scan3A_11 to %scan3A_13 step %scan3A_14 iter_args(%scan3A_20 = %scan3A_10) -> (i32)  : i32 {
      %mul3A_21 = arith.constant 16 : i32
      %mul3A_22 = arith.muli %scan3A_19, %mul3A_21 : i32
      %get3A = arith.index_cast %mul3A_22 : i32 to index
      %get3A_23 = tpu.vector_load %arg4[%get3A] {strides = array<i32>} : memref<12288xi32, #tpu.memory_space<vmem>>, vector<16xi32>,
      tpu.vector_store_idx %arg5[%get3A_23], %broadcast_in_dim3A_9 {add = true} : memref<10240xf32, #tpu.memory_space<vmem>>[vector<16xi32>], vector<16xf32>,
      %scan3A_24 = arith.constant 0 : i32
      scf.yield %scan3A_24 : i32
    }
    %scan3A_16 = arith.constant 768 : i32
    "tpu.region"() ({
      %run_scoped3A = tpu.sem_alloc : memref<!tpu.dma_semaphore, #tpu.memory_space<semaphore_mem>>
      %dma_start3A = arith.constant 0 : i32
      %dma_start3A_19 = tpu.memref_slice %arg8[%arg1, %dma_start3A] : memref<16x10240xf32, #tpu.memory_space<vmem_shared>> -> memref<1x10240xf32, #tpu.memory_space<vmem_shared>>
      %dma_start3A_20 = tpu.memref_squeeze %dma_start3A_19 : memref<1x10240xf32, #tpu.memory_space<vmem_shared>> -> memref<10240xf32, #tpu.memory_space<vmem_shared>>
      %dma_start3A_21 = arith.constant 0 : i32
      %dma_start3A_22 = tpu.memref_slice %arg8[%arg1, %dma_start3A_21] : memref<16x10240xf32, #tpu.memory_space<vmem_shared>> -> memref<1x10240xf32, #tpu.memory_space<vmem_shared>>
      %dma_start3A_23 = tpu.memref_squeeze %dma_start3A_22 : memref<1x10240xf32, #tpu.memory_space<vmem_shared>> -> memref<10240xf32, #tpu.memory_space<vmem_shared>>
      tpu.enqueue_dma source(%arg5 : memref<10240xf32, #tpu.memory_space<vmem>>) target(%dma_start3A_23 : memref<10240xf32, #tpu.memory_space<vmem_shared>>) target_semaphore(%run_scoped3A : memref<!tpu.dma_semaphore, #tpu.memory_space<semaphore_mem>>)
      %dma_wait3A = arith.constant 0 : i32
      %dma_wait3A_24 = tpu.memref_slice %arg8[%arg1, %dma_wait3A] : memref<16x10240xf32, #tpu.memory_space<vmem_shared>> -> memref<1x10240xf32, #tpu.memory_space<vmem_shared>>
      %dma_wait3A_25 = tpu.memref_squeeze %dma_wait3A_24 : memref<1x10240xf32, #tpu.memory_space<vmem_shared>> -> memref<10240xf32, #tpu.memory_space<vmem_shared>>
      %dma_wait3A_26 = arith.constant 0 : i32
      %dma_wait3A_27 = tpu.memref_slice %arg8[%arg1, %dma_wait3A_26] : memref<16x10240xf32, #tpu.memory_space<vmem_shared>> -> memref<1x10240xf32, #tpu.memory_space<vmem_shared>>
      %dma_wait3A_28 = tpu.memref_squeeze %dma_wait3A_27 : memref<1x10240xf32, #tpu.memory_space<vmem_shared>> -> memref<10240xf32, #tpu.memory_space<vmem_shared>>
      tpu.wait_dma2 semaphore(%run_scoped3A : memref<!tpu.dma_semaphore, #tpu.memory_space<semaphore_mem>>) src(%arg5 : memref<10240xf32, #tpu.memory_space<vmem>>) dst(%dma_wait3A_28 : memref<10240xf32, #tpu.memory_space<vmem_shared>>)
      tpu.yield
    }) : () -> ()
    %barrier3A = arith.constant 0 : index
    tpu.barrier barrier_id(%barrier3A)
    %lt3A = arith.constant 10 : i32
    %lt3A_17 = arith.cmpi slt, %arg1, %lt3A : i32
    %convert_element_type3A = arith.extui %lt3A_17 : i1 to i32
    %cond3A = arith.constant 0 : i32
    %cond3A_18 = arith.cmpi ne, %convert_element_type3A, %cond3A : i32
    scf.if %cond3A_18 {
      %scan3A_19 = arith.constant 0 : i32
      %scan3A_20 = arith.constant 0 : i32
      %scan3A_21 = arith.constant 64 : i32
      %scan3A_22 = arith.addi %scan3A_20, %scan3A_21 : i32
      %scan3A_23 = arith.constant 1 : i32
      %scan3A_24 = scf.for %scan3A_38 = %scan3A_20 to %scan3A_22 step %scan3A_23 iter_args(%scan3A_39 = %scan3A_19) -> (i32)  : i32 {
        %mul3A_40 = arith.constant 16 : i32
        %mul3A_41 = arith.muli %scan3A_38, %mul3A_40 : i32
        %swap3A = arith.index_cast %mul3A_41 : i32 to index
        %swap3A_42 = tpu.vector_load %arg6[%swap3A] {strides = array<i32>} : memref<1024xf32, #tpu.memory_space<vmem>>, vector<16xf32>,
        tpu.vector_store %arg6[%swap3A], %broadcast_in_dim3A_1 {strides = array<i32>} : memref<1024xf32, #tpu.memory_space<vmem>>, vector<16xf32>,
        %scan3A_43 = arith.constant 0 : i32
        scf.yield %scan3A_43 : i32
      }
      %scan3A_25 = arith.constant 64 : i32
      %scan3A_26 = arith.constant 0 : i32
      %scan3A_27 = arith.constant 0 : i32
      %scan3A_28 = arith.constant 16 : i32
      %scan3A_29 = arith.addi %scan3A_27, %scan3A_28 : i32
      %scan3A_30 = arith.constant 1 : i32
      %scan3A_31 = scf.for %scan3A_38 = %scan3A_27 to %scan3A_29 step %scan3A_30 iter_args(%scan3A_39 = %scan3A_26) -> (i32)  : i32 {
        %mul3A_40 = arith.constant 1024 : i32
        %mul3A_41 = arith.muli %arg1, %mul3A_40 : i32
        "tpu.region"() ({
          %run_scoped3A = tpu.sem_alloc : memref<!tpu.dma_semaphore, #tpu.memory_space<semaphore_mem>>
          %dma_start3A = tpu.memref_slice %arg8[%scan3A_38, %mul3A_41] : memref<16x10240xf32, #tpu.memory_space<vmem_shared>> -> memref<1x1024xf32, #tpu.memory_space<vmem_shared>>
          %dma_start3A_50 = tpu.memref_squeeze %dma_start3A : memref<1x1024xf32, #tpu.memory_space<vmem_shared>> -> memref<1024xf32, #tpu.memory_space<vmem_shared>>
          %dma_start3A_51 = tpu.memref_slice %arg8[%scan3A_38, %mul3A_41] : memref<16x10240xf32, #tpu.memory_space<vmem_shared>> -> memref<1x1024xf32, #tpu.memory_space<vmem_shared>>
          %dma_start3A_52 = tpu.memref_squeeze %dma_start3A_51 : memref<1x1024xf32, #tpu.memory_space<vmem_shared>> -> memref<1024xf32, #tpu.memory_space<vmem_shared>>
          tpu.enqueue_dma source(%dma_start3A_52 : memref<1024xf32, #tpu.memory_space<vmem_shared>>) target(%arg7 : memref<1024xf32, #tpu.memory_space<vmem>>) target_semaphore(%run_scoped3A : memref<!tpu.dma_semaphore, #tpu.memory_space<semaphore_mem>>)
          %dma_wait3A = tpu.memref_slice %arg8[%scan3A_38, %mul3A_41] : memref<16x10240xf32, #tpu.memory_space<vmem_shared>> -> memref<1x1024xf32, #tpu.memory_space<vmem_shared>>
          %dma_wait3A_53 = tpu.memref_squeeze %dma_wait3A : memref<1x1024xf32, #tpu.memory_space<vmem_shared>> -> memref<1024xf32, #tpu.memory_space<vmem_shared>>
          %dma_wait3A_54 = tpu.memref_slice %arg8[%scan3A_38, %mul3A_41] : memref<16x10240xf32, #tpu.memory_space<vmem_shared>> -> memref<1x1024xf32, #tpu.memory_space<vmem_shared>>
          %dma_wait3A_55 = tpu.memref_squeeze %dma_wait3A_54 : memref<1x1024xf32, #tpu.memory_space<vmem_shared>> -> memref<1024xf32, #tpu.memory_space<vmem_shared>>
          tpu.wait_dma2 semaphore(%run_scoped3A : memref<!tpu.dma_semaphore, #tpu.memory_space<semaphore_mem>>) src(%dma_wait3A_55 : memref<1024xf32, #tpu.memory_space<vmem_shared>>) dst(%arg7 : memref<1024xf32, #tpu.memory_space<vmem>>)
          tpu.yield
        }) : () -> ()
        %scan3A_42 = arith.constant 0 : i32
        %scan3A_43 = arith.constant 0 : i32
        %scan3A_44 = arith.constant 64 : i32
        %scan3A_45 = arith.addi %scan3A_43, %scan3A_44 : i32
        %scan3A_46 = arith.constant 1 : i32
        %scan3A_47 = scf.for %scan3A_50 = %scan3A_43 to %scan3A_45 step %scan3A_46 iter_args(%scan3A_51 = %scan3A_42) -> (i32)  : i32 {
          %mul3A_52 = arith.constant 16 : i32
          %mul3A_53 = arith.muli %scan3A_50, %mul3A_52 : i32
          %get3A = arith.index_cast %mul3A_53 : i32 to index
          %get3A_54 = tpu.vector_load %arg6[%get3A] {strides = array<i32>} : memref<1024xf32, #tpu.memory_space<vmem>>, vector<16xf32>,
          %get3A_55 = arith.index_cast %mul3A_53 : i32 to index
          %get3A_56 = tpu.vector_load %arg7[%get3A_55] {strides = array<i32>} : memref<1024xf32, #tpu.memory_space<vmem>>, vector<16xf32>,
          %add3A_57 = arith.addf %get3A_54, %get3A_56 : vector<16xf32>
          %swap3A = arith.index_cast %mul3A_53 : i32 to index
          %swap3A_58 = tpu.vector_load %arg6[%swap3A] {strides = array<i32>} : memref<1024xf32, #tpu.memory_space<vmem>>, vector<16xf32>,
          tpu.vector_store %arg6[%swap3A], %add3A_57 {strides = array<i32>} : memref<1024xf32, #tpu.memory_space<vmem>>, vector<16xf32>,
          %scan3A_59 = arith.constant 0 : i32
          scf.yield %scan3A_59 : i32
        }
        %scan3A_48 = arith.constant 64 : i32
        %scan3A_49 = arith.constant 0 : i32
        scf.yield %scan3A_49 : i32
      }
      %scan3A_32 = arith.constant 16 : i32
      %mul3A_33 = arith.constant 10240 : i32
      %mul3A_34 = arith.muli %arg0, %mul3A_33 : i32
      %mul3A_35 = arith.constant 1024 : i32
      %mul3A_36 = arith.muli %arg1, %mul3A_35 : i32
      %add3A_37 = arith.addi %mul3A_34, %mul3A_36 : i32
      "tpu.region"() ({
        %run_scoped3A = tpu.sem_alloc : memref<!tpu.dma_semaphore, #tpu.memory_space<semaphore_mem>>
        %dma_start3A = tpu.memref_slice %arg3[%add3A_37] : memref<20480xf32, #tpu.memory_space<hbm>> -> memref<1024xf32, #tpu.memory_space<hbm>>
        %dma_start3A_38 = tpu.memref_slice %arg3[%add3A_37] : memref<20480xf32, #tpu.memory_space<hbm>> -> memref<1024xf32, #tpu.memory_space<hbm>>
        tpu.enqueue_dma source(%arg6 : memref<1024xf32, #tpu.memory_space<vmem>>) target(%dma_start3A_38 : memref<1024xf32, #tpu.memory_space<hbm>>) target_semaphore(%run_scoped3A : memref<!tpu.dma_semaphore, #tpu.memory_space<semaphore_mem>>)
        %dma_wait3A = tpu.memref_slice %arg3[%add3A_37] : memref<20480xf32, #tpu.memory_space<hbm>> -> memref<1024xf32, #tpu.memory_space<hbm>>
        %dma_wait3A_39 = tpu.memref_slice %arg3[%add3A_37] : memref<20480xf32, #tpu.memory_space<hbm>> -> memref<1024xf32, #tpu.memory_space<hbm>>
        tpu.wait_dma2 semaphore(%run_scoped3A : memref<!tpu.dma_semaphore, #tpu.memory_space<semaphore_mem>>) src(%arg6 : memref<1024xf32, #tpu.memory_space<vmem>>) dst(%dma_wait3A_39 : memref<1024xf32, #tpu.memory_space<hbm>>)
        tpu.yield
      }) : () -> ()
    } else {
    }
    return
  }
}

#map = affine_map<(d0, d1) -> (0, 0)>
#map1 = affine_map<(d0, d1) -> (0, 0, 0)>
module attributes {stable_mosaic.version = 14 : i64} {
  func.func @k(%arg0: i32, %arg1: i32, %arg2: memref<10240x128xf32, #tpu.memory_space<hbm>>, %arg3: memref<32x96x128xi32, #tpu.memory_space<hbm>>, %arg4: memref<32x96x128xi32, #tpu.memory_space<hbm>>, %arg5: memref<2x10240x128xf32, #tpu.memory_space<hbm>>, %arg6: memref<96x128xi32, #tpu.memory_space<vmem>>, %arg7: memref<96x128xi32, #tpu.memory_space<vmem>>, %arg8: memref<128x128xf32, #tpu.memory_space<vmem>>, %arg9: memref<16x128xf32, #tpu.memory_space<vmem>>, %arg10: memref<10240x128xf32, #tpu.memory_space<vmem_shared>>, %arg11: memref<!tpu.dma_semaphore, #tpu.memory_space<semaphore_mem>>) attributes {dimension_semantics = [#tpu.dimension_semantics<core_parallel>, #tpu.dimension_semantics<subcore_parallel>], iteration_bounds = array<i64: 2, 16>, scalar_prefetch = 0 : i64, scratch_operands = 6 : i64, tpu.core_type = #tpu.core_type<sc_vector_subcore>, window_params = [{transform_indices = #map}, {transform_indices = #map1}, {transform_indices = #map1}, {transform_indices = #map1}]} {
    %mul3A = arith.constant 2 : i32
    %mul3A_0 = arith.muli %arg1, %mul3A : i32
    %add3A = arith.addi %mul3A_0, %arg0 : i32
    "tpu.region"() ({
      %run_scoped3A = tpu.sem_alloc : memref<!tpu.dma_semaphore, #tpu.memory_space<semaphore_mem>>
      %dma_start3A = arith.constant 0 : i32
      %dma_start3A_33 = arith.constant 0 : i32
      %dma_start3A_34 = tpu.memref_slice %arg3[%add3A, %dma_start3A, %dma_start3A_33] : memref<32x96x128xi32, #tpu.memory_space<hbm>> -> memref<1x96x128xi32, #tpu.memory_space<hbm>>
      %dma_start3A_35 = tpu.memref_squeeze %dma_start3A_34 : memref<1x96x128xi32, #tpu.memory_space<hbm>> -> memref<96x128xi32, #tpu.memory_space<hbm>>
      %dma_start3A_36 = arith.constant 0 : i32
      %dma_start3A_37 = arith.constant 0 : i32
      %dma_start3A_38 = tpu.memref_slice %arg3[%add3A, %dma_start3A_36, %dma_start3A_37] : memref<32x96x128xi32, #tpu.memory_space<hbm>> -> memref<1x96x128xi32, #tpu.memory_space<hbm>>
      %dma_start3A_39 = tpu.memref_squeeze %dma_start3A_38 : memref<1x96x128xi32, #tpu.memory_space<hbm>> -> memref<96x128xi32, #tpu.memory_space<hbm>>
      tpu.enqueue_dma source(%dma_start3A_39 : memref<96x128xi32, #tpu.memory_space<hbm>>) target(%arg6 : memref<96x128xi32, #tpu.memory_space<vmem>>) target_semaphore(%run_scoped3A : memref<!tpu.dma_semaphore, #tpu.memory_space<semaphore_mem>>)
      %dma_wait3A = arith.constant 0 : i32
      %dma_wait3A_40 = arith.constant 0 : i32
      %dma_wait3A_41 = tpu.memref_slice %arg3[%add3A, %dma_wait3A, %dma_wait3A_40] : memref<32x96x128xi32, #tpu.memory_space<hbm>> -> memref<1x96x128xi32, #tpu.memory_space<hbm>>
      %dma_wait3A_42 = tpu.memref_squeeze %dma_wait3A_41 : memref<1x96x128xi32, #tpu.memory_space<hbm>> -> memref<96x128xi32, #tpu.memory_space<hbm>>
      %dma_wait3A_43 = arith.constant 0 : i32
      %dma_wait3A_44 = arith.constant 0 : i32
      %dma_wait3A_45 = tpu.memref_slice %arg3[%add3A, %dma_wait3A_43, %dma_wait3A_44] : memref<32x96x128xi32, #tpu.memory_space<hbm>> -> memref<1x96x128xi32, #tpu.memory_space<hbm>>
      %dma_wait3A_46 = tpu.memref_squeeze %dma_wait3A_45 : memref<1x96x128xi32, #tpu.memory_space<hbm>> -> memref<96x128xi32, #tpu.memory_space<hbm>>
      tpu.wait_dma2 semaphore(%run_scoped3A : memref<!tpu.dma_semaphore, #tpu.memory_space<semaphore_mem>>) src(%dma_wait3A_46 : memref<96x128xi32, #tpu.memory_space<hbm>>) dst(%arg6 : memref<96x128xi32, #tpu.memory_space<vmem>>)
      tpu.yield
    }) : () -> ()
    "tpu.region"() ({
      %run_scoped3A = tpu.sem_alloc : memref<!tpu.dma_semaphore, #tpu.memory_space<semaphore_mem>>
      %dma_start3A = arith.constant 0 : i32
      %dma_start3A_33 = arith.constant 0 : i32
      %dma_start3A_34 = tpu.memref_slice %arg4[%add3A, %dma_start3A, %dma_start3A_33] : memref<32x96x128xi32, #tpu.memory_space<hbm>> -> memref<1x96x128xi32, #tpu.memory_space<hbm>>
      %dma_start3A_35 = tpu.memref_squeeze %dma_start3A_34 : memref<1x96x128xi32, #tpu.memory_space<hbm>> -> memref<96x128xi32, #tpu.memory_space<hbm>>
      %dma_start3A_36 = arith.constant 0 : i32
      %dma_start3A_37 = arith.constant 0 : i32
      %dma_start3A_38 = tpu.memref_slice %arg4[%add3A, %dma_start3A_36, %dma_start3A_37] : memref<32x96x128xi32, #tpu.memory_space<hbm>> -> memref<1x96x128xi32, #tpu.memory_space<hbm>>
      %dma_start3A_39 = tpu.memref_squeeze %dma_start3A_38 : memref<1x96x128xi32, #tpu.memory_space<hbm>> -> memref<96x128xi32, #tpu.memory_space<hbm>>
      tpu.enqueue_dma source(%dma_start3A_39 : memref<96x128xi32, #tpu.memory_space<hbm>>) target(%arg7 : memref<96x128xi32, #tpu.memory_space<vmem>>) target_semaphore(%run_scoped3A : memref<!tpu.dma_semaphore, #tpu.memory_space<semaphore_mem>>)
      %dma_wait3A = arith.constant 0 : i32
      %dma_wait3A_40 = arith.constant 0 : i32
      %dma_wait3A_41 = tpu.memref_slice %arg4[%add3A, %dma_wait3A, %dma_wait3A_40] : memref<32x96x128xi32, #tpu.memory_space<hbm>> -> memref<1x96x128xi32, #tpu.memory_space<hbm>>
      %dma_wait3A_42 = tpu.memref_squeeze %dma_wait3A_41 : memref<1x96x128xi32, #tpu.memory_space<hbm>> -> memref<96x128xi32, #tpu.memory_space<hbm>>
      %dma_wait3A_43 = arith.constant 0 : i32
      %dma_wait3A_44 = arith.constant 0 : i32
      %dma_wait3A_45 = tpu.memref_slice %arg4[%add3A, %dma_wait3A_43, %dma_wait3A_44] : memref<32x96x128xi32, #tpu.memory_space<hbm>> -> memref<1x96x128xi32, #tpu.memory_space<hbm>>
      %dma_wait3A_46 = tpu.memref_squeeze %dma_wait3A_45 : memref<1x96x128xi32, #tpu.memory_space<hbm>> -> memref<96x128xi32, #tpu.memory_space<hbm>>
      tpu.wait_dma2 semaphore(%run_scoped3A : memref<!tpu.dma_semaphore, #tpu.memory_space<semaphore_mem>>) src(%dma_wait3A_46 : memref<96x128xi32, #tpu.memory_space<hbm>>) dst(%arg7 : memref<96x128xi32, #tpu.memory_space<vmem>>)
      tpu.yield
    }) : () -> ()
    %broadcast_in_dim3A = arith.constant 0.000000e+00 : f32
    %broadcast_in_dim3A_1 = vector.broadcast %broadcast_in_dim3A : f32 to vector<16xf32>
    %scan3A = arith.constant 0 : i32
    %scan3A_2 = arith.constant 0 : i32
    %scan3A_3 = arith.constant 128 : i32
    %scan3A_4 = arith.addi %scan3A_2, %scan3A_3 : i32
    %scan3A_5 = arith.constant 1 : i32
    %scan3A_6 = scf.for %scan3A_33 = %scan3A_2 to %scan3A_4 step %scan3A_5 iter_args(%scan3A_34 = %scan3A) -> (i32)  : i32 {
      %jit3A_35 = arith.constant 8 : i32
      %div3A = arith.divsi %scan3A_33, %jit3A_35 : i32
      %sign3A = arith.constant 0 : i32
      %sign3A_36 = arith.cmpi sgt, %scan3A_33, %sign3A : i32
      %sign3A_37 = arith.extui %sign3A_36 : i1 to i32
      %sign3A_38 = arith.constant 0 : i32
      %sign3A_39 = arith.cmpi slt, %scan3A_33, %sign3A_38 : i32
      %sign3A_40 = arith.extui %sign3A_39 : i1 to i32
      %sign3A_41 = arith.subi %sign3A_37, %sign3A_40 : i32
      %sign3A_42 = arith.constant 0 : i32
      %sign3A_43 = arith.cmpi sgt, %jit3A_35, %sign3A_42 : i32
      %sign3A_44 = arith.extui %sign3A_43 : i1 to i32
      %sign3A_45 = arith.constant 0 : i32
      %sign3A_46 = arith.cmpi slt, %jit3A_35, %sign3A_45 : i32
      %sign3A_47 = arith.extui %sign3A_46 : i1 to i32
      %sign3A_48 = arith.subi %sign3A_44, %sign3A_47 : i32
      %ne3A = arith.cmpi ne, %sign3A_41, %sign3A_48 : i32
      %rem3A = arith.remsi %scan3A_33, %jit3A_35 : i32
      %ne3A_49 = arith.constant 0 : i32
      %ne3A_50 = arith.cmpi ne, %rem3A, %ne3A_49 : i32
      %and3A = arith.andi %ne3A, %ne3A_50 : i1
      %sub3A = arith.constant 1 : i32
      %sub3A_51 = arith.subi %div3A, %sub3A : i32
      %select_n3A_52 = arith.select %and3A, %sub3A_51, %div3A : i32
      %jit3A_53 = arith.constant 8 : i32
      %eq3A_54 = arith.constant 0 : i32
      %eq3A_55 = arith.cmpi eq, %jit3A_53, %eq3A_54 : i32
      %jit3A_56 = arith.constant 1 : i32
      %select_n3A_57 = arith.select %eq3A_55, %jit3A_56, %jit3A_53 : i32
      %rem3A_58 = arith.remsi %scan3A_33, %select_n3A_57 : i32
      %ne3A_59 = arith.constant 0 : i32
      %ne3A_60 = arith.cmpi ne, %rem3A_58, %ne3A_59 : i32
      %lt3A = arith.constant 0 : i32
      %lt3A_61 = arith.cmpi slt, %rem3A_58, %lt3A : i32
      %lt3A_62 = arith.constant 0 : i32
      %lt3A_63 = arith.cmpi slt, %select_n3A_57, %lt3A_62 : i32
      %ne3A_64 = arith.xori %lt3A_61, %lt3A_63 : i1
      %and3A_65 = arith.andi %ne3A_64, %ne3A_60 : i1
      %add3A_66 = arith.addi %rem3A_58, %select_n3A_57 : i32
      %select_n3A_67 = arith.select %and3A_65, %add3A_66, %rem3A_58 : i32
      %mul3A_68 = arith.constant 16 : i32
      %mul3A_69 = arith.muli %select_n3A_67, %mul3A_68 : i32
      %swap3A = arith.index_cast %select_n3A_52 : i32 to index
      %swap3A_70 = arith.index_cast %mul3A_69 : i32 to index
      %swap3A_71 = tpu.vector_load %arg9[%swap3A, %swap3A_70] {strides = array<i32>} : memref<16x128xf32, #tpu.memory_space<vmem>>, vector<16xf32>,
      tpu.vector_store %arg9[%swap3A, %swap3A_70], %broadcast_in_dim3A_1 {strides = array<i32>} : memref<16x128xf32, #tpu.memory_space<vmem>>, vector<16xf32>,
      %scan3A_72 = arith.constant 0 : i32
      scf.yield %scan3A_72 : i32
    }
    %scan3A_7 = arith.constant 128 : i32
    %scan3A_8 = arith.constant 0 : i32
    %scan3A_9 = arith.constant 0 : i32
    %scan3A_10 = arith.constant 40 : i32
    %scan3A_11 = arith.addi %scan3A_9, %scan3A_10 : i32
    %scan3A_12 = arith.constant 1 : i32
    %scan3A_13 = scf.for %scan3A_33 = %scan3A_9 to %scan3A_11 step %scan3A_12 iter_args(%scan3A_34 = %scan3A_8) -> (i32)  : i32 {
      %mul3A_35 = arith.constant 640 : i32
      %mul3A_36 = arith.muli %arg1, %mul3A_35 : i32
      %mul3A_37 = arith.constant 16 : i32
      %mul3A_38 = arith.muli %scan3A_33, %mul3A_37 : i32
      %add3A_39 = arith.addi %mul3A_36, %mul3A_38 : i32
      "tpu.region"() ({
        %run_scoped3A = tpu.sem_alloc : memref<!tpu.dma_semaphore, #tpu.memory_space<semaphore_mem>>
        %dma_start3A = arith.constant 0 : i32
        %dma_start3A_41 = tpu.memref_slice %arg10[%add3A_39, %dma_start3A] : memref<10240x128xf32, #tpu.memory_space<vmem_shared>> -> memref<16x128xf32, #tpu.memory_space<vmem_shared>>
        %dma_start3A_42 = arith.constant 0 : i32
        %dma_start3A_43 = tpu.memref_slice %arg10[%add3A_39, %dma_start3A_42] : memref<10240x128xf32, #tpu.memory_space<vmem_shared>> -> memref<16x128xf32, #tpu.memory_space<vmem_shared>>
        tpu.enqueue_dma source(%arg9 : memref<16x128xf32, #tpu.memory_space<vmem>>) target(%dma_start3A_43 : memref<16x128xf32, #tpu.memory_space<vmem_shared>>) target_semaphore(%run_scoped3A : memref<!tpu.dma_semaphore, #tpu.memory_space<semaphore_mem>>)
        %dma_wait3A = arith.constant 0 : i32
        %dma_wait3A_44 = tpu.memref_slice %arg10[%add3A_39, %dma_wait3A] : memref<10240x128xf32, #tpu.memory_space<vmem_shared>> -> memref<16x128xf32, #tpu.memory_space<vmem_shared>>
        %dma_wait3A_45 = arith.constant 0 : i32
        %dma_wait3A_46 = tpu.memref_slice %arg10[%add3A_39, %dma_wait3A_45] : memref<10240x128xf32, #tpu.memory_space<vmem_shared>> -> memref<16x128xf32, #tpu.memory_space<vmem_shared>>
        tpu.wait_dma2 semaphore(%run_scoped3A : memref<!tpu.dma_semaphore, #tpu.memory_space<semaphore_mem>>) src(%arg9 : memref<16x128xf32, #tpu.memory_space<vmem>>) dst(%dma_wait3A_46 : memref<16x128xf32, #tpu.memory_space<vmem_shared>>)
        tpu.yield
      }) : () -> ()
      %scan3A_40 = arith.constant 0 : i32
      scf.yield %scan3A_40 : i32
    }
    %scan3A_14 = arith.constant 40 : i32
    %barrier3A = arith.constant 0 : index
    tpu.barrier barrier_id(%barrier3A)
    %eq3A = arith.constant 0 : i32
    %eq3A_15 = arith.cmpi eq, %arg0, %eq3A : i32
    %jit3A = arith.constant 96 : i32
    %jit3A_16 = arith.constant 66 : i32
    %select_n3A = arith.select %eq3A_15, %jit3A, %jit3A_16 : i32
    %while3A = arith.constant 0 : i32
    %while3A_17 = arith.constant 0 : i32
    %while3A_18 = arith.subi %select_n3A, %while3A : i32
    %while3A_19 = arith.addi %while3A, %while3A_18 : i32
    %while3A_20 = arith.constant 1 : i32
    %while3A_21 = arith.divsi %while3A_18, %while3A_20 : i32
    %while3A_22 = arith.muli %while3A_21, %while3A_20 : i32
    %while3A_23 = arith.addi %while3A, %while3A_22 : i32
    %while3A_24 = arith.constant 1 : i32
    %while3A_25 = scf.for %while3A_33 = %while3A to %while3A_23 step %while3A_24 iter_args(%while3A_34 = %while3A_17) -> (i32)  : i32 {
      %dma_start3A = arith.constant 0 : i32
      %dma_start3A_35 = tpu.memref_slice %arg6[%while3A_33, %dma_start3A] : memref<96x128xi32, #tpu.memory_space<vmem>> -> memref<1x128xi32, #tpu.memory_space<vmem>>
      %dma_start3A_36 = tpu.memref_squeeze %dma_start3A_35 : memref<1x128xi32, #tpu.memory_space<vmem>> -> memref<128xi32, #tpu.memory_space<vmem>>
      %dma_start3A_37 = arith.constant 0 : i32
      %dma_start3A_38 = arith.constant 0 : i32
      %dma_start3A_39 = tpu.memref_slice %arg2[%dma_start3A_37, %dma_start3A_38] : memref<10240x128xf32, #tpu.memory_space<hbm>> -> memref<10240x128xf32, #tpu.memory_space<hbm>>
      tpu.enqueue_indirect_dma source(%dma_start3A_39 : memref<10240x128xf32, #tpu.memory_space<hbm>>) target(%arg8 : memref<128x128xf32, #tpu.memory_space<vmem>>) offsets(%dma_start3A_36 : memref<128xi32, #tpu.memory_space<vmem>>) semaphore(%arg11 : memref<!tpu.dma_semaphore, #tpu.memory_space<semaphore_mem>>)
      %dma_wait3A = arith.constant 0 : i32
      %dma_wait3A_40 = tpu.memref_slice %arg6[%while3A_33, %dma_wait3A] : memref<96x128xi32, #tpu.memory_space<vmem>> -> memref<1x128xi32, #tpu.memory_space<vmem>>
      %dma_wait3A_41 = tpu.memref_squeeze %dma_wait3A_40 : memref<1x128xi32, #tpu.memory_space<vmem>> -> memref<128xi32, #tpu.memory_space<vmem>>
      %dma_wait3A_42 = arith.constant 0 : i32
      %dma_wait3A_43 = arith.constant 0 : i32
      %dma_wait3A_44 = tpu.memref_slice %arg2[%dma_wait3A_42, %dma_wait3A_43] : memref<10240x128xf32, #tpu.memory_space<hbm>> -> memref<10240x128xf32, #tpu.memory_space<hbm>>
      tpu.wait_indirect_dma semaphore(%arg11 : memref<!tpu.dma_semaphore, #tpu.memory_space<semaphore_mem>>) src(%dma_wait3A_44 : memref<10240x128xf32, #tpu.memory_space<hbm>>) dst(%arg8 : memref<128x128xf32, #tpu.memory_space<vmem>>)
      "tpu.region"() ({
        %run_scoped3A = tpu.sem_alloc : memref<!tpu.dma_semaphore, #tpu.memory_space<semaphore_mem>>
        %dma_start3A_46 = arith.constant 0 : i32
        %dma_start3A_47 = tpu.memref_slice %arg7[%while3A_33, %dma_start3A_46] : memref<96x128xi32, #tpu.memory_space<vmem>> -> memref<1x128xi32, #tpu.memory_space<vmem>>
        %dma_start3A_48 = tpu.memref_squeeze %dma_start3A_47 : memref<1x128xi32, #tpu.memory_space<vmem>> -> memref<128xi32, #tpu.memory_space<vmem>>
        %dma_start3A_49 = arith.constant 0 : i32
        %dma_start3A_50 = arith.constant 0 : i32
        %dma_start3A_51 = tpu.memref_slice %arg10[%dma_start3A_49, %dma_start3A_50] : memref<10240x128xf32, #tpu.memory_space<vmem_shared>> -> memref<10240x128xf32, #tpu.memory_space<vmem_shared>>
        tpu.enqueue_indirect_dma source(%arg8 : memref<128x128xf32, #tpu.memory_space<vmem>>) target(%dma_start3A_51 : memref<10240x128xf32, #tpu.memory_space<vmem_shared>>) offsets(%dma_start3A_48 : memref<128xi32, #tpu.memory_space<vmem>>) semaphore(%run_scoped3A : memref<!tpu.dma_semaphore, #tpu.memory_space<semaphore_mem>>) {add = true}
        %dma_wait3A_52 = arith.constant 0 : i32
        %dma_wait3A_53 = tpu.memref_slice %arg7[%while3A_33, %dma_wait3A_52] : memref<96x128xi32, #tpu.memory_space<vmem>> -> memref<1x128xi32, #tpu.memory_space<vmem>>
        %dma_wait3A_54 = tpu.memref_squeeze %dma_wait3A_53 : memref<1x128xi32, #tpu.memory_space<vmem>> -> memref<128xi32, #tpu.memory_space<vmem>>
        %dma_wait3A_55 = arith.constant 0 : i32
        %dma_wait3A_56 = arith.constant 0 : i32
        %dma_wait3A_57 = tpu.memref_slice %arg10[%dma_wait3A_55, %dma_wait3A_56] : memref<10240x128xf32, #tpu.memory_space<vmem_shared>> -> memref<10240x128xf32, #tpu.memory_space<vmem_shared>>
        tpu.wait_indirect_dma semaphore(%run_scoped3A : memref<!tpu.dma_semaphore, #tpu.memory_space<semaphore_mem>>) src(%arg8 : memref<128x128xf32, #tpu.memory_space<vmem>>) dst(%dma_wait3A_57 : memref<10240x128xf32, #tpu.memory_space<vmem_shared>>)
        tpu.yield
      }) : () -> ()
      %while3A_45 = arith.constant 0 : i32
      scf.yield %while3A_45 : i32
    }
    %while3A_26 = arith.constant 1 : i32
    %while3A_27 = scf.for %while3A_33 = %while3A_23 to %while3A_19 step %while3A_26 iter_args(%while3A_34 = %while3A_25) -> (i32)  : i32 {
      %dma_start3A = arith.constant 0 : i32
      %dma_start3A_35 = tpu.memref_slice %arg6[%while3A_33, %dma_start3A] : memref<96x128xi32, #tpu.memory_space<vmem>> -> memref<1x128xi32, #tpu.memory_space<vmem>>
      %dma_start3A_36 = tpu.memref_squeeze %dma_start3A_35 : memref<1x128xi32, #tpu.memory_space<vmem>> -> memref<128xi32, #tpu.memory_space<vmem>>
      %dma_start3A_37 = arith.constant 0 : i32
      %dma_start3A_38 = arith.constant 0 : i32
      %dma_start3A_39 = tpu.memref_slice %arg2[%dma_start3A_37, %dma_start3A_38] : memref<10240x128xf32, #tpu.memory_space<hbm>> -> memref<10240x128xf32, #tpu.memory_space<hbm>>
      tpu.enqueue_indirect_dma source(%dma_start3A_39 : memref<10240x128xf32, #tpu.memory_space<hbm>>) target(%arg8 : memref<128x128xf32, #tpu.memory_space<vmem>>) offsets(%dma_start3A_36 : memref<128xi32, #tpu.memory_space<vmem>>) semaphore(%arg11 : memref<!tpu.dma_semaphore, #tpu.memory_space<semaphore_mem>>)
      %dma_wait3A = arith.constant 0 : i32
      %dma_wait3A_40 = tpu.memref_slice %arg6[%while3A_33, %dma_wait3A] : memref<96x128xi32, #tpu.memory_space<vmem>> -> memref<1x128xi32, #tpu.memory_space<vmem>>
      %dma_wait3A_41 = tpu.memref_squeeze %dma_wait3A_40 : memref<1x128xi32, #tpu.memory_space<vmem>> -> memref<128xi32, #tpu.memory_space<vmem>>
      %dma_wait3A_42 = arith.constant 0 : i32
      %dma_wait3A_43 = arith.constant 0 : i32
      %dma_wait3A_44 = tpu.memref_slice %arg2[%dma_wait3A_42, %dma_wait3A_43] : memref<10240x128xf32, #tpu.memory_space<hbm>> -> memref<10240x128xf32, #tpu.memory_space<hbm>>
      tpu.wait_indirect_dma semaphore(%arg11 : memref<!tpu.dma_semaphore, #tpu.memory_space<semaphore_mem>>) src(%dma_wait3A_44 : memref<10240x128xf32, #tpu.memory_space<hbm>>) dst(%arg8 : memref<128x128xf32, #tpu.memory_space<vmem>>)
      "tpu.region"() ({
        %run_scoped3A = tpu.sem_alloc : memref<!tpu.dma_semaphore, #tpu.memory_space<semaphore_mem>>
        %dma_start3A_46 = arith.constant 0 : i32
        %dma_start3A_47 = tpu.memref_slice %arg7[%while3A_33, %dma_start3A_46] : memref<96x128xi32, #tpu.memory_space<vmem>> -> memref<1x128xi32, #tpu.memory_space<vmem>>
        %dma_start3A_48 = tpu.memref_squeeze %dma_start3A_47 : memref<1x128xi32, #tpu.memory_space<vmem>> -> memref<128xi32, #tpu.memory_space<vmem>>
        %dma_start3A_49 = arith.constant 0 : i32
        %dma_start3A_50 = arith.constant 0 : i32
        %dma_start3A_51 = tpu.memref_slice %arg10[%dma_start3A_49, %dma_start3A_50] : memref<10240x128xf32, #tpu.memory_space<vmem_shared>> -> memref<10240x128xf32, #tpu.memory_space<vmem_shared>>
        tpu.enqueue_indirect_dma source(%arg8 : memref<128x128xf32, #tpu.memory_space<vmem>>) target(%dma_start3A_51 : memref<10240x128xf32, #tpu.memory_space<vmem_shared>>) offsets(%dma_start3A_48 : memref<128xi32, #tpu.memory_space<vmem>>) semaphore(%run_scoped3A : memref<!tpu.dma_semaphore, #tpu.memory_space<semaphore_mem>>) {add = true}
        %dma_wait3A_52 = arith.constant 0 : i32
        %dma_wait3A_53 = tpu.memref_slice %arg7[%while3A_33, %dma_wait3A_52] : memref<96x128xi32, #tpu.memory_space<vmem>> -> memref<1x128xi32, #tpu.memory_space<vmem>>
        %dma_wait3A_54 = tpu.memref_squeeze %dma_wait3A_53 : memref<1x128xi32, #tpu.memory_space<vmem>> -> memref<128xi32, #tpu.memory_space<vmem>>
        %dma_wait3A_55 = arith.constant 0 : i32
        %dma_wait3A_56 = arith.constant 0 : i32
        %dma_wait3A_57 = tpu.memref_slice %arg10[%dma_wait3A_55, %dma_wait3A_56] : memref<10240x128xf32, #tpu.memory_space<vmem_shared>> -> memref<10240x128xf32, #tpu.memory_space<vmem_shared>>
        tpu.wait_indirect_dma semaphore(%run_scoped3A : memref<!tpu.dma_semaphore, #tpu.memory_space<semaphore_mem>>) src(%arg8 : memref<128x128xf32, #tpu.memory_space<vmem>>) dst(%dma_wait3A_57 : memref<10240x128xf32, #tpu.memory_space<vmem_shared>>)
        tpu.yield
      }) : () -> ()
      %while3A_45 = arith.constant 0 : i32
      scf.yield %while3A_45 : i32
    }
    %barrier3A_28 = arith.constant 0 : index
    tpu.barrier barrier_id(%barrier3A_28)
    %mul3A_29 = arith.constant 640 : i32
    %mul3A_30 = arith.muli %arg1, %mul3A_29 : i32
    %mul3A_31 = arith.constant 640 : i32
    %mul3A_32 = arith.muli %arg1, %mul3A_31 : i32
    "tpu.region"() ({
      %run_scoped3A = tpu.sem_alloc : memref<!tpu.dma_semaphore, #tpu.memory_space<semaphore_mem>>
      %dma_start3A = arith.constant 0 : i32
      %dma_start3A_33 = tpu.memref_slice %arg5[%arg0, %mul3A_32, %dma_start3A] : memref<2x10240x128xf32, #tpu.memory_space<hbm>> -> memref<1x640x128xf32, #tpu.memory_space<hbm>>
      %dma_start3A_34 = tpu.memref_squeeze %dma_start3A_33 : memref<1x640x128xf32, #tpu.memory_space<hbm>> -> memref<640x128xf32, #tpu.memory_space<hbm>>
      %dma_start3A_35 = arith.constant 0 : i32
      %dma_start3A_36 = tpu.memref_slice %arg10[%mul3A_30, %dma_start3A_35] : memref<10240x128xf32, #tpu.memory_space<vmem_shared>> -> memref<640x128xf32, #tpu.memory_space<vmem_shared>>
      tpu.enqueue_dma source(%dma_start3A_36 : memref<640x128xf32, #tpu.memory_space<vmem_shared>>) target(%dma_start3A_34 : memref<640x128xf32, #tpu.memory_space<hbm>>) target_semaphore(%run_scoped3A : memref<!tpu.dma_semaphore, #tpu.memory_space<semaphore_mem>>)
      %dma_wait3A = arith.constant 0 : i32
      %dma_wait3A_37 = tpu.memref_slice %arg5[%arg0, %mul3A_32, %dma_wait3A] : memref<2x10240x128xf32, #tpu.memory_space<hbm>> -> memref<1x640x128xf32, #tpu.memory_space<hbm>>
      %dma_wait3A_38 = tpu.memref_squeeze %dma_wait3A_37 : memref<1x640x128xf32, #tpu.memory_space<hbm>> -> memref<640x128xf32, #tpu.memory_space<hbm>>
      %dma_wait3A_39 = arith.constant 0 : i32
      %dma_wait3A_40 = tpu.memref_slice %arg10[%mul3A_30, %dma_wait3A_39] : memref<10240x128xf32, #tpu.memory_space<vmem_shared>> -> memref<640x128xf32, #tpu.memory_space<vmem_shared>>
      tpu.wait_dma2 semaphore(%run_scoped3A : memref<!tpu.dma_semaphore, #tpu.memory_space<semaphore_mem>>) src(%dma_wait3A_40 : memref<640x128xf32, #tpu.memory_space<vmem_shared>>) dst(%dma_wait3A_38 : memref<640x128xf32, #tpu.memory_space<hbm>>)
      tpu.yield
    }) : () -> ()
    return
  }
}

#map = affine_map<(d0, d1) -> (0, 0)>
#map1 = affine_map<(d0, d1) -> (0, 0, 0)>
module attributes {stable_mosaic.version = 14 : i64} {
  func.func @k(%arg0: i32, %arg1: i32, %arg2: memref<10240x128xf32, #tpu.memory_space<hbm>>, %arg3: memref<32x96x128xi32, #tpu.memory_space<hbm>>, %arg4: memref<32x96x128xi32, #tpu.memory_space<hbm>>, %arg5: memref<2x10240x128xf32, #tpu.memory_space<hbm>>, %arg6: memref<96x128xi32, #tpu.memory_space<vmem>>, %arg7: memref<96x128xi32, #tpu.memory_space<vmem>>, %arg8: memref<128x128xf32, #tpu.memory_space<vmem>>, %arg9: memref<16x128xf32, #tpu.memory_space<vmem>>, %arg10: memref<10240x128xf32, #tpu.memory_space<vmem_shared>>, %arg11: memref<!tpu.dma_semaphore, #tpu.memory_space<semaphore_mem>>) attributes {dimension_semantics = [#tpu.dimension_semantics<core_parallel>, #tpu.dimension_semantics<subcore_parallel>], iteration_bounds = array<i64: 2, 16>, scalar_prefetch = 0 : i64, scratch_operands = 6 : i64, tpu.core_type = #tpu.core_type<sc_vector_subcore>, window_params = [{transform_indices = #map}, {transform_indices = #map1}, {transform_indices = #map1}, {transform_indices = #map1}]} {
    %mul3A = arith.constant 2 : i32
    %mul3A_0 = arith.muli %arg1, %mul3A : i32
    %add3A = arith.addi %mul3A_0, %arg0 : i32
    "tpu.region"() ({
      %run_scoped3A = tpu.sem_alloc : memref<!tpu.dma_semaphore, #tpu.memory_space<semaphore_mem>>
      %dma_start3A = arith.constant 0 : i32
      %dma_start3A_33 = arith.constant 0 : i32
      %dma_start3A_34 = tpu.memref_slice %arg3[%add3A, %dma_start3A, %dma_start3A_33] : memref<32x96x128xi32, #tpu.memory_space<hbm>> -> memref<1x96x128xi32, #tpu.memory_space<hbm>>
      %dma_start3A_35 = tpu.memref_squeeze %dma_start3A_34 : memref<1x96x128xi32, #tpu.memory_space<hbm>> -> memref<96x128xi32, #tpu.memory_space<hbm>>
      %dma_start3A_36 = arith.constant 0 : i32
      %dma_start3A_37 = arith.constant 0 : i32
      %dma_start3A_38 = tpu.memref_slice %arg3[%add3A, %dma_start3A_36, %dma_start3A_37] : memref<32x96x128xi32, #tpu.memory_space<hbm>> -> memref<1x96x128xi32, #tpu.memory_space<hbm>>
      %dma_start3A_39 = tpu.memref_squeeze %dma_start3A_38 : memref<1x96x128xi32, #tpu.memory_space<hbm>> -> memref<96x128xi32, #tpu.memory_space<hbm>>
      tpu.enqueue_dma source(%dma_start3A_39 : memref<96x128xi32, #tpu.memory_space<hbm>>) target(%arg6 : memref<96x128xi32, #tpu.memory_space<vmem>>) target_semaphore(%run_scoped3A : memref<!tpu.dma_semaphore, #tpu.memory_space<semaphore_mem>>)
      %dma_wait3A = arith.constant 0 : i32
      %dma_wait3A_40 = arith.constant 0 : i32
      %dma_wait3A_41 = tpu.memref_slice %arg3[%add3A, %dma_wait3A, %dma_wait3A_40] : memref<32x96x128xi32, #tpu.memory_space<hbm>> -> memref<1x96x128xi32, #tpu.memory_space<hbm>>
      %dma_wait3A_42 = tpu.memref_squeeze %dma_wait3A_41 : memref<1x96x128xi32, #tpu.memory_space<hbm>> -> memref<96x128xi32, #tpu.memory_space<hbm>>
      %dma_wait3A_43 = arith.constant 0 : i32
      %dma_wait3A_44 = arith.constant 0 : i32
      %dma_wait3A_45 = tpu.memref_slice %arg3[%add3A, %dma_wait3A_43, %dma_wait3A_44] : memref<32x96x128xi32, #tpu.memory_space<hbm>> -> memref<1x96x128xi32, #tpu.memory_space<hbm>>
      %dma_wait3A_46 = tpu.memref_squeeze %dma_wait3A_45 : memref<1x96x128xi32, #tpu.memory_space<hbm>> -> memref<96x128xi32, #tpu.memory_space<hbm>>
      tpu.wait_dma2 semaphore(%run_scoped3A : memref<!tpu.dma_semaphore, #tpu.memory_space<semaphore_mem>>) src(%dma_wait3A_46 : memref<96x128xi32, #tpu.memory_space<hbm>>) dst(%arg6 : memref<96x128xi32, #tpu.memory_space<vmem>>)
      tpu.yield
    }) : () -> ()
    "tpu.region"() ({
      %run_scoped3A = tpu.sem_alloc : memref<!tpu.dma_semaphore, #tpu.memory_space<semaphore_mem>>
      %dma_start3A = arith.constant 0 : i32
      %dma_start3A_33 = arith.constant 0 : i32
      %dma_start3A_34 = tpu.memref_slice %arg4[%add3A, %dma_start3A, %dma_start3A_33] : memref<32x96x128xi32, #tpu.memory_space<hbm>> -> memref<1x96x128xi32, #tpu.memory_space<hbm>>
      %dma_start3A_35 = tpu.memref_squeeze %dma_start3A_34 : memref<1x96x128xi32, #tpu.memory_space<hbm>> -> memref<96x128xi32, #tpu.memory_space<hbm>>
      %dma_start3A_36 = arith.constant 0 : i32
      %dma_start3A_37 = arith.constant 0 : i32
      %dma_start3A_38 = tpu.memref_slice %arg4[%add3A, %dma_start3A_36, %dma_start3A_37] : memref<32x96x128xi32, #tpu.memory_space<hbm>> -> memref<1x96x128xi32, #tpu.memory_space<hbm>>
      %dma_start3A_39 = tpu.memref_squeeze %dma_start3A_38 : memref<1x96x128xi32, #tpu.memory_space<hbm>> -> memref<96x128xi32, #tpu.memory_space<hbm>>
      tpu.enqueue_dma source(%dma_start3A_39 : memref<96x128xi32, #tpu.memory_space<hbm>>) target(%arg7 : memref<96x128xi32, #tpu.memory_space<vmem>>) target_semaphore(%run_scoped3A : memref<!tpu.dma_semaphore, #tpu.memory_space<semaphore_mem>>)
      %dma_wait3A = arith.constant 0 : i32
      %dma_wait3A_40 = arith.constant 0 : i32
      %dma_wait3A_41 = tpu.memref_slice %arg4[%add3A, %dma_wait3A, %dma_wait3A_40] : memref<32x96x128xi32, #tpu.memory_space<hbm>> -> memref<1x96x128xi32, #tpu.memory_space<hbm>>
      %dma_wait3A_42 = tpu.memref_squeeze %dma_wait3A_41 : memref<1x96x128xi32, #tpu.memory_space<hbm>> -> memref<96x128xi32, #tpu.memory_space<hbm>>
      %dma_wait3A_43 = arith.constant 0 : i32
      %dma_wait3A_44 = arith.constant 0 : i32
      %dma_wait3A_45 = tpu.memref_slice %arg4[%add3A, %dma_wait3A_43, %dma_wait3A_44] : memref<32x96x128xi32, #tpu.memory_space<hbm>> -> memref<1x96x128xi32, #tpu.memory_space<hbm>>
      %dma_wait3A_46 = tpu.memref_squeeze %dma_wait3A_45 : memref<1x96x128xi32, #tpu.memory_space<hbm>> -> memref<96x128xi32, #tpu.memory_space<hbm>>
      tpu.wait_dma2 semaphore(%run_scoped3A : memref<!tpu.dma_semaphore, #tpu.memory_space<semaphore_mem>>) src(%dma_wait3A_46 : memref<96x128xi32, #tpu.memory_space<hbm>>) dst(%arg7 : memref<96x128xi32, #tpu.memory_space<vmem>>)
      tpu.yield
    }) : () -> ()
    %broadcast_in_dim3A = arith.constant 0.000000e+00 : f32
    %broadcast_in_dim3A_1 = vector.broadcast %broadcast_in_dim3A : f32 to vector<16xf32>
    %scan3A = arith.constant 0 : i32
    %scan3A_2 = arith.constant 0 : i32
    %scan3A_3 = arith.constant 128 : i32
    %scan3A_4 = arith.addi %scan3A_2, %scan3A_3 : i32
    %scan3A_5 = arith.constant 1 : i32
    %scan3A_6 = scf.for %scan3A_33 = %scan3A_2 to %scan3A_4 step %scan3A_5 iter_args(%scan3A_34 = %scan3A) -> (i32)  : i32 {
      %jit3A_35 = arith.constant 8 : i32
      %div3A = arith.divsi %scan3A_33, %jit3A_35 : i32
      %sign3A = arith.constant 0 : i32
      %sign3A_36 = arith.cmpi sgt, %scan3A_33, %sign3A : i32
      %sign3A_37 = arith.extui %sign3A_36 : i1 to i32
      %sign3A_38 = arith.constant 0 : i32
      %sign3A_39 = arith.cmpi slt, %scan3A_33, %sign3A_38 : i32
      %sign3A_40 = arith.extui %sign3A_39 : i1 to i32
      %sign3A_41 = arith.subi %sign3A_37, %sign3A_40 : i32
      %sign3A_42 = arith.constant 0 : i32
      %sign3A_43 = arith.cmpi sgt, %jit3A_35, %sign3A_42 : i32
      %sign3A_44 = arith.extui %sign3A_43 : i1 to i32
      %sign3A_45 = arith.constant 0 : i32
      %sign3A_46 = arith.cmpi slt, %jit3A_35, %sign3A_45 : i32
      %sign3A_47 = arith.extui %sign3A_46 : i1 to i32
      %sign3A_48 = arith.subi %sign3A_44, %sign3A_47 : i32
      %ne3A = arith.cmpi ne, %sign3A_41, %sign3A_48 : i32
      %rem3A = arith.remsi %scan3A_33, %jit3A_35 : i32
      %ne3A_49 = arith.constant 0 : i32
      %ne3A_50 = arith.cmpi ne, %rem3A, %ne3A_49 : i32
      %and3A = arith.andi %ne3A, %ne3A_50 : i1
      %sub3A = arith.constant 1 : i32
      %sub3A_51 = arith.subi %div3A, %sub3A : i32
      %select_n3A_52 = arith.select %and3A, %sub3A_51, %div3A : i32
      %jit3A_53 = arith.constant 8 : i32
      %eq3A_54 = arith.constant 0 : i32
      %eq3A_55 = arith.cmpi eq, %jit3A_53, %eq3A_54 : i32
      %jit3A_56 = arith.constant 1 : i32
      %select_n3A_57 = arith.select %eq3A_55, %jit3A_56, %jit3A_53 : i32
      %rem3A_58 = arith.remsi %scan3A_33, %select_n3A_57 : i32
      %ne3A_59 = arith.constant 0 : i32
      %ne3A_60 = arith.cmpi ne, %rem3A_58, %ne3A_59 : i32
      %lt3A = arith.constant 0 : i32
      %lt3A_61 = arith.cmpi slt, %rem3A_58, %lt3A : i32
      %lt3A_62 = arith.constant 0 : i32
      %lt3A_63 = arith.cmpi slt, %select_n3A_57, %lt3A_62 : i32
      %ne3A_64 = arith.xori %lt3A_61, %lt3A_63 : i1
      %and3A_65 = arith.andi %ne3A_64, %ne3A_60 : i1
      %add3A_66 = arith.addi %rem3A_58, %select_n3A_57 : i32
      %select_n3A_67 = arith.select %and3A_65, %add3A_66, %rem3A_58 : i32
      %mul3A_68 = arith.constant 16 : i32
      %mul3A_69 = arith.muli %select_n3A_67, %mul3A_68 : i32
      %swap3A = arith.index_cast %select_n3A_52 : i32 to index
      %swap3A_70 = arith.index_cast %mul3A_69 : i32 to index
      %swap3A_71 = tpu.vector_load %arg9[%swap3A, %swap3A_70] {strides = array<i32>} : memref<16x128xf32, #tpu.memory_space<vmem>>, vector<16xf32>,
      tpu.vector_store %arg9[%swap3A, %swap3A_70], %broadcast_in_dim3A_1 {strides = array<i32>} : memref<16x128xf32, #tpu.memory_space<vmem>>, vector<16xf32>,
      %scan3A_72 = arith.constant 0 : i32
      scf.yield %scan3A_72 : i32
    }
    %scan3A_7 = arith.constant 128 : i32
    %scan3A_8 = arith.constant 0 : i32
    %scan3A_9 = arith.constant 0 : i32
    %scan3A_10 = arith.constant 40 : i32
    %scan3A_11 = arith.addi %scan3A_9, %scan3A_10 : i32
    %scan3A_12 = arith.constant 1 : i32
    %scan3A_13 = scf.for %scan3A_33 = %scan3A_9 to %scan3A_11 step %scan3A_12 iter_args(%scan3A_34 = %scan3A_8) -> (i32)  : i32 {
      %mul3A_35 = arith.constant 640 : i32
      %mul3A_36 = arith.muli %arg1, %mul3A_35 : i32
      %mul3A_37 = arith.constant 16 : i32
      %mul3A_38 = arith.muli %scan3A_33, %mul3A_37 : i32
      %add3A_39 = arith.addi %mul3A_36, %mul3A_38 : i32
      "tpu.region"() ({
        %run_scoped3A = tpu.sem_alloc : memref<!tpu.dma_semaphore, #tpu.memory_space<semaphore_mem>>
        %dma_start3A = arith.constant 0 : i32
        %dma_start3A_41 = tpu.memref_slice %arg10[%add3A_39, %dma_start3A] : memref<10240x128xf32, #tpu.memory_space<vmem_shared>> -> memref<16x128xf32, #tpu.memory_space<vmem_shared>>
        %dma_start3A_42 = arith.constant 0 : i32
        %dma_start3A_43 = tpu.memref_slice %arg10[%add3A_39, %dma_start3A_42] : memref<10240x128xf32, #tpu.memory_space<vmem_shared>> -> memref<16x128xf32, #tpu.memory_space<vmem_shared>>
        tpu.enqueue_dma source(%arg9 : memref<16x128xf32, #tpu.memory_space<vmem>>) target(%dma_start3A_43 : memref<16x128xf32, #tpu.memory_space<vmem_shared>>) target_semaphore(%run_scoped3A : memref<!tpu.dma_semaphore, #tpu.memory_space<semaphore_mem>>)
        %dma_wait3A = arith.constant 0 : i32
        %dma_wait3A_44 = tpu.memref_slice %arg10[%add3A_39, %dma_wait3A] : memref<10240x128xf32, #tpu.memory_space<vmem_shared>> -> memref<16x128xf32, #tpu.memory_space<vmem_shared>>
        %dma_wait3A_45 = arith.constant 0 : i32
        %dma_wait3A_46 = tpu.memref_slice %arg10[%add3A_39, %dma_wait3A_45] : memref<10240x128xf32, #tpu.memory_space<vmem_shared>> -> memref<16x128xf32, #tpu.memory_space<vmem_shared>>
        tpu.wait_dma2 semaphore(%run_scoped3A : memref<!tpu.dma_semaphore, #tpu.memory_space<semaphore_mem>>) src(%arg9 : memref<16x128xf32, #tpu.memory_space<vmem>>) dst(%dma_wait3A_46 : memref<16x128xf32, #tpu.memory_space<vmem_shared>>)
        tpu.yield
      }) : () -> ()
      %scan3A_40 = arith.constant 0 : i32
      scf.yield %scan3A_40 : i32
    }
    %scan3A_14 = arith.constant 40 : i32
    %barrier3A = arith.constant 0 : index
    tpu.barrier barrier_id(%barrier3A)
    %eq3A = arith.constant 0 : i32
    %eq3A_15 = arith.cmpi eq, %arg0, %eq3A : i32
    %jit3A = arith.constant 96 : i32
    %jit3A_16 = arith.constant 66 : i32
    %select_n3A = arith.select %eq3A_15, %jit3A, %jit3A_16 : i32
    %while3A = arith.constant 0 : i32
    %while3A_17 = arith.constant 0 : i32
    %while3A_18 = arith.subi %select_n3A, %while3A : i32
    %while3A_19 = arith.addi %while3A, %while3A_18 : i32
    %while3A_20 = arith.constant 1 : i32
    %while3A_21 = arith.divsi %while3A_18, %while3A_20 : i32
    %while3A_22 = arith.muli %while3A_21, %while3A_20 : i32
    %while3A_23 = arith.addi %while3A, %while3A_22 : i32
    %while3A_24 = arith.constant 1 : i32
    %while3A_25 = scf.for %while3A_33 = %while3A to %while3A_23 step %while3A_24 iter_args(%while3A_34 = %while3A_17) -> (i32)  : i32 {
      %dma_start3A = arith.constant 0 : i32
      %dma_start3A_35 = tpu.memref_slice %arg6[%while3A_33, %dma_start3A] : memref<96x128xi32, #tpu.memory_space<vmem>> -> memref<1x128xi32, #tpu.memory_space<vmem>>
      %dma_start3A_36 = tpu.memref_squeeze %dma_start3A_35 : memref<1x128xi32, #tpu.memory_space<vmem>> -> memref<128xi32, #tpu.memory_space<vmem>>
      %dma_start3A_37 = arith.constant 0 : i32
      %dma_start3A_38 = arith.constant 0 : i32
      %dma_start3A_39 = tpu.memref_slice %arg2[%dma_start3A_37, %dma_start3A_38] : memref<10240x128xf32, #tpu.memory_space<hbm>> -> memref<10240x128xf32, #tpu.memory_space<hbm>>
      tpu.enqueue_indirect_dma source(%dma_start3A_39 : memref<10240x128xf32, #tpu.memory_space<hbm>>) target(%arg8 : memref<128x128xf32, #tpu.memory_space<vmem>>) offsets(%dma_start3A_36 : memref<128xi32, #tpu.memory_space<vmem>>) semaphore(%arg11 : memref<!tpu.dma_semaphore, #tpu.memory_space<semaphore_mem>>)
      %dma_wait3A = arith.constant 0 : i32
      %dma_wait3A_40 = tpu.memref_slice %arg6[%while3A_33, %dma_wait3A] : memref<96x128xi32, #tpu.memory_space<vmem>> -> memref<1x128xi32, #tpu.memory_space<vmem>>
      %dma_wait3A_41 = tpu.memref_squeeze %dma_wait3A_40 : memref<1x128xi32, #tpu.memory_space<vmem>> -> memref<128xi32, #tpu.memory_space<vmem>>
      %dma_wait3A_42 = arith.constant 0 : i32
      %dma_wait3A_43 = arith.constant 0 : i32
      %dma_wait3A_44 = tpu.memref_slice %arg2[%dma_wait3A_42, %dma_wait3A_43] : memref<10240x128xf32, #tpu.memory_space<hbm>> -> memref<10240x128xf32, #tpu.memory_space<hbm>>
      tpu.wait_indirect_dma semaphore(%arg11 : memref<!tpu.dma_semaphore, #tpu.memory_space<semaphore_mem>>) src(%dma_wait3A_44 : memref<10240x128xf32, #tpu.memory_space<hbm>>) dst(%arg8 : memref<128x128xf32, #tpu.memory_space<vmem>>)
      "tpu.region"() ({
        %run_scoped3A = tpu.sem_alloc : memref<!tpu.dma_semaphore, #tpu.memory_space<semaphore_mem>>
        %dma_start3A_46 = arith.constant 0 : i32
        %dma_start3A_47 = tpu.memref_slice %arg7[%while3A_33, %dma_start3A_46] : memref<96x128xi32, #tpu.memory_space<vmem>> -> memref<1x128xi32, #tpu.memory_space<vmem>>
        %dma_start3A_48 = tpu.memref_squeeze %dma_start3A_47 : memref<1x128xi32, #tpu.memory_space<vmem>> -> memref<128xi32, #tpu.memory_space<vmem>>
        %dma_start3A_49 = arith.constant 0 : i32
        %dma_start3A_50 = arith.constant 0 : i32
        %dma_start3A_51 = tpu.memref_slice %arg10[%dma_start3A_49, %dma_start3A_50] : memref<10240x128xf32, #tpu.memory_space<vmem_shared>> -> memref<10240x128xf32, #tpu.memory_space<vmem_shared>>
        tpu.enqueue_indirect_dma source(%arg8 : memref<128x128xf32, #tpu.memory_space<vmem>>) target(%dma_start3A_51 : memref<10240x128xf32, #tpu.memory_space<vmem_shared>>) offsets(%dma_start3A_48 : memref<128xi32, #tpu.memory_space<vmem>>) semaphore(%run_scoped3A : memref<!tpu.dma_semaphore, #tpu.memory_space<semaphore_mem>>) {add = true}
        %dma_wait3A_52 = arith.constant 0 : i32
        %dma_wait3A_53 = tpu.memref_slice %arg7[%while3A_33, %dma_wait3A_52] : memref<96x128xi32, #tpu.memory_space<vmem>> -> memref<1x128xi32, #tpu.memory_space<vmem>>
        %dma_wait3A_54 = tpu.memref_squeeze %dma_wait3A_53 : memref<1x128xi32, #tpu.memory_space<vmem>> -> memref<128xi32, #tpu.memory_space<vmem>>
        %dma_wait3A_55 = arith.constant 0 : i32
        %dma_wait3A_56 = arith.constant 0 : i32
        %dma_wait3A_57 = tpu.memref_slice %arg10[%dma_wait3A_55, %dma_wait3A_56] : memref<10240x128xf32, #tpu.memory_space<vmem_shared>> -> memref<10240x128xf32, #tpu.memory_space<vmem_shared>>
        tpu.wait_indirect_dma semaphore(%run_scoped3A : memref<!tpu.dma_semaphore, #tpu.memory_space<semaphore_mem>>) src(%arg8 : memref<128x128xf32, #tpu.memory_space<vmem>>) dst(%dma_wait3A_57 : memref<10240x128xf32, #tpu.memory_space<vmem_shared>>)
        tpu.yield
      }) : () -> ()
      %while3A_45 = arith.constant 0 : i32
      scf.yield %while3A_45 : i32
    }
    %while3A_26 = arith.constant 1 : i32
    %while3A_27 = scf.for %while3A_33 = %while3A_23 to %while3A_19 step %while3A_26 iter_args(%while3A_34 = %while3A_25) -> (i32)  : i32 {
      %dma_start3A = arith.constant 0 : i32
      %dma_start3A_35 = tpu.memref_slice %arg6[%while3A_33, %dma_start3A] : memref<96x128xi32, #tpu.memory_space<vmem>> -> memref<1x128xi32, #tpu.memory_space<vmem>>
      %dma_start3A_36 = tpu.memref_squeeze %dma_start3A_35 : memref<1x128xi32, #tpu.memory_space<vmem>> -> memref<128xi32, #tpu.memory_space<vmem>>
      %dma_start3A_37 = arith.constant 0 : i32
      %dma_start3A_38 = arith.constant 0 : i32
      %dma_start3A_39 = tpu.memref_slice %arg2[%dma_start3A_37, %dma_start3A_38] : memref<10240x128xf32, #tpu.memory_space<hbm>> -> memref<10240x128xf32, #tpu.memory_space<hbm>>
      tpu.enqueue_indirect_dma source(%dma_start3A_39 : memref<10240x128xf32, #tpu.memory_space<hbm>>) target(%arg8 : memref<128x128xf32, #tpu.memory_space<vmem>>) offsets(%dma_start3A_36 : memref<128xi32, #tpu.memory_space<vmem>>) semaphore(%arg11 : memref<!tpu.dma_semaphore, #tpu.memory_space<semaphore_mem>>)
      %dma_wait3A = arith.constant 0 : i32
      %dma_wait3A_40 = tpu.memref_slice %arg6[%while3A_33, %dma_wait3A] : memref<96x128xi32, #tpu.memory_space<vmem>> -> memref<1x128xi32, #tpu.memory_space<vmem>>
      %dma_wait3A_41 = tpu.memref_squeeze %dma_wait3A_40 : memref<1x128xi32, #tpu.memory_space<vmem>> -> memref<128xi32, #tpu.memory_space<vmem>>
      %dma_wait3A_42 = arith.constant 0 : i32
      %dma_wait3A_43 = arith.constant 0 : i32
      %dma_wait3A_44 = tpu.memref_slice %arg2[%dma_wait3A_42, %dma_wait3A_43] : memref<10240x128xf32, #tpu.memory_space<hbm>> -> memref<10240x128xf32, #tpu.memory_space<hbm>>
      tpu.wait_indirect_dma semaphore(%arg11 : memref<!tpu.dma_semaphore, #tpu.memory_space<semaphore_mem>>) src(%dma_wait3A_44 : memref<10240x128xf32, #tpu.memory_space<hbm>>) dst(%arg8 : memref<128x128xf32, #tpu.memory_space<vmem>>)
      "tpu.region"() ({
        %run_scoped3A = tpu.sem_alloc : memref<!tpu.dma_semaphore, #tpu.memory_space<semaphore_mem>>
        %dma_start3A_46 = arith.constant 0 : i32
        %dma_start3A_47 = tpu.memref_slice %arg7[%while3A_33, %dma_start3A_46] : memref<96x128xi32, #tpu.memory_space<vmem>> -> memref<1x128xi32, #tpu.memory_space<vmem>>
        %dma_start3A_48 = tpu.memref_squeeze %dma_start3A_47 : memref<1x128xi32, #tpu.memory_space<vmem>> -> memref<128xi32, #tpu.memory_space<vmem>>
        %dma_start3A_49 = arith.constant 0 : i32
        %dma_start3A_50 = arith.constant 0 : i32
        %dma_start3A_51 = tpu.memref_slice %arg10[%dma_start3A_49, %dma_start3A_50] : memref<10240x128xf32, #tpu.memory_space<vmem_shared>> -> memref<10240x128xf32, #tpu.memory_space<vmem_shared>>
        tpu.enqueue_indirect_dma source(%arg8 : memref<128x128xf32, #tpu.memory_space<vmem>>) target(%dma_start3A_51 : memref<10240x128xf32, #tpu.memory_space<vmem_shared>>) offsets(%dma_start3A_48 : memref<128xi32, #tpu.memory_space<vmem>>) semaphore(%run_scoped3A : memref<!tpu.dma_semaphore, #tpu.memory_space<semaphore_mem>>) {add = true}
        %dma_wait3A_52 = arith.constant 0 : i32
        %dma_wait3A_53 = tpu.memref_slice %arg7[%while3A_33, %dma_wait3A_52] : memref<96x128xi32, #tpu.memory_space<vmem>> -> memref<1x128xi32, #tpu.memory_space<vmem>>
        %dma_wait3A_54 = tpu.memref_squeeze %dma_wait3A_53 : memref<1x128xi32, #tpu.memory_space<vmem>> -> memref<128xi32, #tpu.memory_space<vmem>>
        %dma_wait3A_55 = arith.constant 0 : i32
        %dma_wait3A_56 = arith.constant 0 : i32
        %dma_wait3A_57 = tpu.memref_slice %arg10[%dma_wait3A_55, %dma_wait3A_56] : memref<10240x128xf32, #tpu.memory_space<vmem_shared>> -> memref<10240x128xf32, #tpu.memory_space<vmem_shared>>
        tpu.wait_indirect_dma semaphore(%run_scoped3A : memref<!tpu.dma_semaphore, #tpu.memory_space<semaphore_mem>>) src(%arg8 : memref<128x128xf32, #tpu.memory_space<vmem>>) dst(%dma_wait3A_57 : memref<10240x128xf32, #tpu.memory_space<vmem_shared>>)
        tpu.yield
      }) : () -> ()
      %while3A_45 = arith.constant 0 : i32
      scf.yield %while3A_45 : i32
    }
    %barrier3A_28 = arith.constant 0 : index
    tpu.barrier barrier_id(%barrier3A_28)
    %mul3A_29 = arith.constant 640 : i32
    %mul3A_30 = arith.muli %arg1, %mul3A_29 : i32
    %mul3A_31 = arith.constant 640 : i32
    %mul3A_32 = arith.muli %arg1, %mul3A_31 : i32
    "tpu.region"() ({
      %run_scoped3A = tpu.sem_alloc : memref<!tpu.dma_semaphore, #tpu.memory_space<semaphore_mem>>
      %dma_start3A = arith.constant 0 : i32
      %dma_start3A_33 = tpu.memref_slice %arg5[%arg0, %mul3A_32, %dma_start3A] : memref<2x10240x128xf32, #tpu.memory_space<hbm>> -> memref<1x640x128xf32, #tpu.memory_space<hbm>>
      %dma_start3A_34 = tpu.memref_squeeze %dma_start3A_33 : memref<1x640x128xf32, #tpu.memory_space<hbm>> -> memref<640x128xf32, #tpu.memory_space<hbm>>
      %dma_start3A_35 = arith.constant 0 : i32
      %dma_start3A_36 = tpu.memref_slice %arg10[%mul3A_30, %dma_start3A_35] : memref<10240x128xf32, #tpu.memory_space<vmem_shared>> -> memref<640x128xf32, #tpu.memory_space<vmem_shared>>
      tpu.enqueue_dma source(%dma_start3A_36 : memref<640x128xf32, #tpu.memory_space<vmem_shared>>) target(%dma_start3A_34 : memref<640x128xf32, #tpu.memory_space<hbm>>) target_semaphore(%run_scoped3A : memref<!tpu.dma_semaphore, #tpu.memory_space<semaphore_mem>>)
      %dma_wait3A = arith.constant 0 : i32
      %dma_wait3A_37 = tpu.memref_slice %arg5[%arg0, %mul3A_32, %dma_wait3A] : memref<2x10240x128xf32, #tpu.memory_space<hbm>> -> memref<1x640x128xf32, #tpu.memory_space<hbm>>
      %dma_wait3A_38 = tpu.memref_squeeze %dma_wait3A_37 : memref<1x640x128xf32, #tpu.memory_space<hbm>> -> memref<640x128xf32, #tpu.memory_space<hbm>>
      %dma_wait3A_39 = arith.constant 0 : i32
      %dma_wait3A_40 = tpu.memref_slice %arg10[%mul3A_30, %dma_wait3A_39] : memref<10240x128xf32, #tpu.memory_space<vmem_shared>> -> memref<640x128xf32, #tpu.memory_space<vmem_shared>>
      tpu.wait_dma2 semaphore(%run_scoped3A : memref<!tpu.dma_semaphore, #tpu.memory_space<semaphore_mem>>) src(%dma_wait3A_40 : memref<640x128xf32, #tpu.memory_space<vmem_shared>>) dst(%dma_wait3A_38 : memref<640x128xf32, #tpu.memory_space<hbm>>)
      tpu.yield
    }) : () -> ()
    return
  }
}

module attributes {stable_mosaic.version = 14 : i64} {
  func.func @body(%arg0: i32, %arg1: memref<256x128xf32, #tpu.memory_space<vmem>>, %arg2: memref<128x128xf32, #tpu.memory_space<vmem>>, %arg3: memref<256x1xf32, #tpu.memory_space<vmem>>, %arg4: memref<256x1xf32, #tpu.memory_space<vmem>>, %arg5: memref<256x128xf32, #tpu.memory_space<vmem>>, %arg6: memref<256x1xf32, #tpu.memory_space<vmem>>) attributes {dimension_semantics = [#tpu.dimension_semantics<arbitrary>], iteration_bounds = array<i64: 40>, scalar_prefetch = 0 : i64, scratch_operands = 0 : i64, tpu.core_type = #tpu.core_type<tc>, window_params = [{transform_indices = @transform_0, window_bounds = array<i64: 256, 128>}, {pipeline_mode = #tpu.pipeline_mode<synchronous>, transform_indices = @transform_1, window_bounds = array<i64: 128, 128>}, {transform_indices = @transform_2, window_bounds = array<i64: 256, 1>}, {transform_indices = @transform_3, window_bounds = array<i64: 256, 1>}, {transform_indices = @transform_4, window_bounds = array<i64: 256, 128>}, {transform_indices = @transform_5, window_bounds = array<i64: 256, 1>}]} {
    %mul3A = arith.constant 256 : i32
    %mul3A_0 = arith.muli %arg0, %mul3A : i32
    %iota3A = tpu.iota {dimensions = array<i32: 0>} : vector<256x1xi32>
    %add3A = vector.broadcast %mul3A_0 : i32 to vector<256x1xi32>
    %add3A_1 = arith.addi %add3A, %iota3A : vector<256x1xi32>
    %get3A = arith.constant 0 : index
    %get3A_2 = arith.constant 0 : index
    %get3A_3 = vector.load %arg3[%get3A, %get3A_2] : memref<256x1xf32, #tpu.memory_space<vmem>>, vector<256x1xf32>
    %get3A_4 = arith.constant 0 : index
    %get3A_5 = arith.constant 0 : index
    %get3A_6 = vector.load %arg4[%get3A_4, %get3A_5] : memref<256x1xf32, #tpu.memory_space<vmem>>, vector<256x1xf32>
    %add3A_7 = arith.addf %get3A_3, %get3A_6 : vector<256x1xf32>
    %lt3A = arith.constant 10000 : i32
    %lt3A_8 = vector.broadcast %lt3A : i32 to vector<256x1xi32>
    %lt3A_9 = arith.cmpi slt, %add3A_1, %lt3A_8 : vector<256x1xi32>
    %gt3A = arith.constant 0.000000e+00 : f32
    %gt3A_10 = vector.broadcast %gt3A : f32 to vector<256x1xf32>
    %gt3A_11 = arith.cmpf ogt, %add3A_7, %gt3A_10 : vector<256x1xf32>
    %and3A = arith.andi %lt3A_9, %gt3A_11 : vector<256x1xi1>
    %rsqrt3A = math.rsqrt %add3A_7 : vector<256x1xf32>
    %jit3A = arith.constant 0.000000e+00 : f32
    %broadcast_in_dim3A = vector.broadcast %jit3A : f32 to vector<256x1xf32>
    %select_n3A = arith.select %and3A, %rsqrt3A, %broadcast_in_dim3A : vector<256x1xi1>, vector<256x1xf32>
    %swap3A = arith.constant 0 : index
    %swap3A_12 = arith.constant 0 : index
    %swap3A_13 = vector.load %arg6[%swap3A, %swap3A_12] : memref<256x1xf32, #tpu.memory_space<vmem>>, vector<256x1xf32>
    tpu.vector_store %arg6[%swap3A, %swap3A_12], %select_n3A {strides = array<i32>} : memref<256x1xf32, #tpu.memory_space<vmem>>, vector<256x1xf32>,
    %get3A_14 = arith.constant 0 : index
    %get3A_15 = arith.constant 0 : index
    %get3A_16 = vector.load %arg1[%get3A_14, %get3A_15] : memref<256x128xf32, #tpu.memory_space<vmem>>, vector<256x128xf32>
    %get3A_17 = arith.constant 0 : index
    %get3A_18 = arith.constant 0 : index
    %get3A_19 = vector.load %arg2[%get3A_17, %get3A_18] : memref<128x128xf32, #tpu.memory_space<vmem>>, vector<128x128xf32>
    %dot_general3A = arith.constant dense<0.000000e+00> : vector<256x128xf32>
    %dot_general3A_20 = tpu.matmul %get3A_16, %get3A_19, %dot_general3A {dimension_numbers = #tpu.dot_dimension_numbers<[1], [0], [0], [1], [0, 0, 1, 1], [], []>, transpose_lhs_hint = false} : vector<256x128xf32>, vector<128x128xf32>, vector<256x128xf32> -> vector<256x128xf32>
    %mul3A_21 = vector.broadcast %select_n3A : vector<256x1xf32> to vector<256x128xf32>
    %mul3A_22 = arith.mulf %dot_general3A_20, %mul3A_21 : vector<256x128xf32>
    %swap3A_23 = arith.constant 0 : index
    %swap3A_24 = arith.constant 0 : index
    %swap3A_25 = vector.load %arg5[%swap3A_23, %swap3A_24] : memref<256x128xf32, #tpu.memory_space<vmem>>, vector<256x128xf32>
    tpu.vector_store %arg5[%swap3A_23, %swap3A_24], %mul3A_22 {strides = array<i32>} : memref<256x128xf32, #tpu.memory_space<vmem>>, vector<256x128xf32>,
    return
  }
  func.func @transform_0(%arg0: i32) -> (i32, i32) {
    %c0_i32 = arith.constant 0 : i32
    %c0_i32_0 = arith.constant 0 : i32
    return %arg0, %c0_i32 : i32, i32
  }
  func.func @transform_1(%arg0: i32) -> (i32, i32) {
    %c0_i32 = arith.constant 0 : i32
    %c0_i32_0 = arith.constant 0 : i32
    %c0_i32_1 = arith.constant 0 : i32
    return %c0_i32, %c0_i32_0 : i32, i32
  }
  func.func @transform_2(%arg0: i32) -> (i32, i32) {
    %c0_i32 = arith.constant 0 : i32
    %c0_i32_0 = arith.constant 0 : i32
    return %arg0, %c0_i32 : i32, i32
  }
  func.func @transform_3(%arg0: i32) -> (i32, i32) {
    %c0_i32 = arith.constant 0 : i32
    %c0_i32_0 = arith.constant 0 : i32
    return %arg0, %c0_i32 : i32, i32
  }
  func.func @transform_4(%arg0: i32) -> (i32, i32) {
    %c0_i32 = arith.constant 0 : i32
    %c0_i32_0 = arith.constant 0 : i32
    return %arg0, %c0_i32 : i32, i32
  }
  func.func @transform_5(%arg0: i32) -> (i32, i32) {
    %c0_i32 = arith.constant 0 : i32
    %c0_i32_0 = arith.constant 0 : i32
    return %arg0, %c0_i32 : i32, i32
  }
}

module attributes {stable_mosaic.version = 14 : i64} {
  func.func @body(%arg0: i32, %arg1: memref<256x128xf32, #tpu.memory_space<vmem>>, %arg2: memref<256x128xf32, #tpu.memory_space<vmem>>, %arg3: memref<256x1xf32, #tpu.memory_space<vmem>>, %arg4: memref<1x128xf32, #tpu.memory_space<vmem>>, %arg5: memref<128x128xf32, #tpu.memory_space<vmem>>, %arg6: memref<256x128xf32, #tpu.memory_space<vmem>>) attributes {dimension_semantics = [#tpu.dimension_semantics<arbitrary>], iteration_bounds = array<i64: 40>, scalar_prefetch = 0 : i64, scratch_operands = 0 : i64, tpu.core_type = #tpu.core_type<tc>, window_params = [{transform_indices = @transform_0, window_bounds = array<i64: 256, 128>}, {transform_indices = @transform_1, window_bounds = array<i64: 256, 128>}, {transform_indices = @transform_2, window_bounds = array<i64: 256, 1>}, {pipeline_mode = #tpu.pipeline_mode<synchronous>, transform_indices = @transform_3, window_bounds = array<i64: 1, 128>}, {pipeline_mode = #tpu.pipeline_mode<synchronous>, transform_indices = @transform_4, window_bounds = array<i64: 128, 128>}, {transform_indices = @transform_5, window_bounds = array<i64: 256, 128>}]} {
    %get3A = arith.constant 0 : index
    %get3A_0 = arith.constant 0 : index
    %get3A_1 = vector.load %arg3[%get3A, %get3A_0] : memref<256x1xf32, #tpu.memory_space<vmem>>, vector<256x1xf32>
    %get3A_2 = arith.constant 0 : index
    %get3A_3 = arith.constant 0 : index
    %get3A_4 = vector.load %arg1[%get3A_2, %get3A_3] : memref<256x128xf32, #tpu.memory_space<vmem>>, vector<256x128xf32>
    %get3A_5 = arith.constant 0 : index
    %get3A_6 = arith.constant 0 : index
    %get3A_7 = vector.load %arg2[%get3A_5, %get3A_6] : memref<256x128xf32, #tpu.memory_space<vmem>>, vector<256x128xf32>
    %add3A = arith.addf %get3A_4, %get3A_7 : vector<256x128xf32>
    %mul3A = vector.broadcast %get3A_1 : vector<256x1xf32> to vector<256x128xf32>
    %mul3A_8 = arith.mulf %mul3A, %add3A : vector<256x128xf32>
    %get3A_9 = arith.constant 0 : index
    %get3A_10 = arith.constant 0 : index
    %get3A_11 = vector.load %arg4[%get3A_9, %get3A_10] : memref<1x128xf32, #tpu.memory_space<vmem>>, vector<1x128xf32>
    %add3A_12 = vector.broadcast %get3A_11 : vector<1x128xf32> to vector<256x128xf32>
    %add3A_13 = arith.addf %mul3A_8, %add3A_12 : vector<256x128xf32>
    %max3A = arith.constant 0.000000e+00 : f32
    %max3A_14 = vector.broadcast %max3A : f32 to vector<256x128xf32>
    %max3A_15 = arith.maximumf %add3A_13, %max3A_14 : vector<256x128xf32>
    %get3A_16 = arith.constant 0 : index
    %get3A_17 = arith.constant 0 : index
    %get3A_18 = vector.load %arg5[%get3A_16, %get3A_17] : memref<128x128xf32, #tpu.memory_space<vmem>>, vector<128x128xf32>
    %dot_general3A = arith.constant dense<0.000000e+00> : vector<256x128xf32>
    %dot_general3A_19 = tpu.matmul %max3A_15, %get3A_18, %dot_general3A {dimension_numbers = #tpu.dot_dimension_numbers<[1], [0], [0], [1], [0, 0, 1, 1], [], []>, transpose_lhs_hint = false} : vector<256x128xf32>, vector<128x128xf32>, vector<256x128xf32> -> vector<256x128xf32>
    %mul3A_20 = vector.broadcast %get3A_1 : vector<256x1xf32> to vector<256x128xf32>
    %mul3A_21 = arith.mulf %dot_general3A_19, %mul3A_20 : vector<256x128xf32>
    %swap3A = arith.constant 0 : index
    %swap3A_22 = arith.constant 0 : index
    %swap3A_23 = vector.load %arg6[%swap3A, %swap3A_22] : memref<256x128xf32, #tpu.memory_space<vmem>>, vector<256x128xf32>
    tpu.vector_store %arg6[%swap3A, %swap3A_22], %mul3A_21 {strides = array<i32>} : memref<256x128xf32, #tpu.memory_space<vmem>>, vector<256x128xf32>,
    return
  }
  func.func @transform_0(%arg0: i32) -> (i32, i32) {
    %c0_i32 = arith.constant 0 : i32
    %c0_i32_0 = arith.constant 0 : i32
    return %arg0, %c0_i32 : i32, i32
  }
  func.func @transform_1(%arg0: i32) -> (i32, i32) {
    %c0_i32 = arith.constant 0 : i32
    %c0_i32_0 = arith.constant 0 : i32
    return %arg0, %c0_i32 : i32, i32
  }
  func.func @transform_2(%arg0: i32) -> (i32, i32) {
    %c0_i32 = arith.constant 0 : i32
    %c0_i32_0 = arith.constant 0 : i32
    return %arg0, %c0_i32 : i32, i32
  }
  func.func @transform_3(%arg0: i32) -> (i32, i32) {
    %c0_i32 = arith.constant 0 : i32
    %c0_i32_0 = arith.constant 0 : i32
    %c0_i32_1 = arith.constant 0 : i32
    return %c0_i32, %c0_i32_0 : i32, i32
  }
  func.func @transform_4(%arg0: i32) -> (i32, i32) {
    %c0_i32 = arith.constant 0 : i32
    %c0_i32_0 = arith.constant 0 : i32
    %c0_i32_1 = arith.constant 0 : i32
    return %c0_i32, %c0_i32_0 : i32, i32
  }
  func.func @transform_5(%arg0: i32) -> (i32, i32) {
    %c0_i32 = arith.constant 0 : i32
    %c0_i32_0 = arith.constant 0 : i32
    return %arg0, %c0_i32 : i32, i32
  }
}

module attributes {stable_mosaic.version = 14 : i64} {
  func.func @body(%arg0: i32, %arg1: memref<256x128xf32, #tpu.memory_space<vmem>>, %arg2: memref<256x128xf32, #tpu.memory_space<vmem>>, %arg3: memref<256x1xf32, #tpu.memory_space<vmem>>, %arg4: memref<1x128xf32, #tpu.memory_space<vmem>>, %arg5: memref<1x1x256xi32, #tpu.memory_space<vmem>>, %arg6: memref<128x128xf32, #tpu.memory_space<vmem>>, %arg7: memref<1x128xf32, #tpu.memory_space<vmem>>, %arg8: memref<128x128xf32, #tpu.memory_space<vmem>>, %arg9: memref<128x128xf32, #tpu.memory_space<vmem>>, %arg10: memref<128x1xf32, #tpu.memory_space<vmem>>) attributes {dimension_semantics = [#tpu.dimension_semantics<arbitrary>], iteration_bounds = array<i64: 40>, scalar_prefetch = 0 : i64, scratch_operands = 2 : i64, tpu.core_type = #tpu.core_type<tc>, window_params = [{transform_indices = @transform_0, window_bounds = array<i64: 256, 128>}, {transform_indices = @transform_1, window_bounds = array<i64: 256, 128>}, {transform_indices = @transform_2, window_bounds = array<i64: 256, 1>}, {pipeline_mode = #tpu.pipeline_mode<synchronous>, transform_indices = @transform_3, window_bounds = array<i64: 1, 128>}, {transform_indices = @transform_4, window_bounds = array<i64: 1, 1, 256>}, {pipeline_mode = #tpu.pipeline_mode<synchronous>, transform_indices = @transform_5, window_bounds = array<i64: 128, 128>}, {pipeline_mode = #tpu.pipeline_mode<synchronous>, transform_indices = @transform_6, window_bounds = array<i64: 1, 128>}, {pipeline_mode = #tpu.pipeline_mode<synchronous>, transform_indices = @transform_7, window_bounds = array<i64: 128, 128>}]} {
    %eq3A = arith.constant 0 : i32
    %eq3A_0 = arith.cmpi eq, %arg0, %eq3A : i32
    %convert_element_type3A = arith.extui %eq3A_0 : i1 to i32
    %cond3A = arith.constant 0 : i32
    %cond3A_1 = arith.cmpi ne, %convert_element_type3A, %cond3A : i32
    scf.if %cond3A_1 {
      %broadcast_in_dim3A_46 = arith.constant 0.000000e+00 : f32
      %broadcast_in_dim3A_47 = vector.broadcast %broadcast_in_dim3A_46 : f32 to vector<128x128xf32>
      %swap3A_48 = arith.constant 0 : index
      %swap3A_49 = arith.constant 0 : index
      %swap3A_50 = vector.load %arg9[%swap3A_48, %swap3A_49] : memref<128x128xf32, #tpu.memory_space<vmem>>, vector<128x128xf32>
      tpu.vector_store %arg9[%swap3A_48, %swap3A_49], %broadcast_in_dim3A_47 {strides = array<i32>} : memref<128x128xf32, #tpu.memory_space<vmem>>, vector<128x128xf32>,
      %broadcast_in_dim3A_51 = arith.constant 0.000000e+00 : f32
      %broadcast_in_dim3A_52 = vector.broadcast %broadcast_in_dim3A_51 : f32 to vector<128x1xf32>
      %swap3A_53 = arith.constant 0 : index
      %swap3A_54 = arith.constant 0 : index
      %swap3A_55 = vector.load %arg10[%swap3A_53, %swap3A_54] : memref<128x1xf32, #tpu.memory_space<vmem>>, vector<128x1xf32>
      tpu.vector_store %arg10[%swap3A_53, %swap3A_54], %broadcast_in_dim3A_52 {strides = array<i32>} : memref<128x1xf32, #tpu.memory_space<vmem>>, vector<128x1xf32>,
    } else {
    }
    %get3A = arith.constant 0 : index
    %get3A_2 = arith.constant 0 : index
    %get3A_3 = vector.load %arg3[%get3A, %get3A_2] : memref<256x1xf32, #tpu.memory_space<vmem>>, vector<256x1xf32>
    %get3A_4 = arith.constant 0 : index
    %get3A_5 = arith.constant 0 : index
    %get3A_6 = vector.load %arg1[%get3A_4, %get3A_5] : memref<256x128xf32, #tpu.memory_space<vmem>>, vector<256x128xf32>
    %get3A_7 = arith.constant 0 : index
    %get3A_8 = arith.constant 0 : index
    %get3A_9 = vector.load %arg2[%get3A_7, %get3A_8] : memref<256x128xf32, #tpu.memory_space<vmem>>, vector<256x128xf32>
    %add3A = arith.addf %get3A_6, %get3A_9 : vector<256x128xf32>
    %mul3A = vector.broadcast %get3A_3 : vector<256x1xf32> to vector<256x128xf32>
    %mul3A_10 = arith.mulf %mul3A, %add3A : vector<256x128xf32>
    %get3A_11 = arith.constant 0 : index
    %get3A_12 = arith.constant 0 : index
    %get3A_13 = vector.load %arg4[%get3A_11, %get3A_12] : memref<1x128xf32, #tpu.memory_space<vmem>>, vector<1x128xf32>
    %add3A_14 = vector.broadcast %get3A_13 : vector<1x128xf32> to vector<256x128xf32>
    %add3A_15 = arith.addf %mul3A_10, %add3A_14 : vector<256x128xf32>
    %max3A = arith.constant 0.000000e+00 : f32
    %max3A_16 = vector.broadcast %max3A : f32 to vector<256x128xf32>
    %max3A_17 = arith.maximumf %add3A_15, %max3A_16 : vector<256x128xf32>
    %get3A_18 = arith.constant 0 : index
    %get3A_19 = arith.constant 0 : index
    %get3A_20 = arith.constant 0 : index
    %get3A_21 = vector.load %arg5[%get3A_18, %get3A_19, %get3A_20] : memref<1x1x256xi32, #tpu.memory_space<vmem>>, vector<1x1x256xi32>
    %reshape3A = vector.shape_cast %get3A_21 : vector<1x1x256xi32> to vector<1x256xi32>
    %iota3A = tpu.iota {dimensions = array<i32: 0>} : vector<128x256xi32>
    %eq3A_22 = vector.broadcast %reshape3A : vector<1x256xi32> to vector<128x256xi32>
    %eq3A_23 = arith.cmpi eq, %iota3A, %eq3A_22 : vector<128x256xi32>
    %convert_element_type3A_24 = arith.extui %eq3A_23 : vector<128x256xi1> to vector<128x256xi32>
    %convert_element_type3A_25 = arith.sitofp %convert_element_type3A_24 : vector<128x256xi32> to vector<128x256xf32>
    %get3A_26 = arith.constant 0 : index
    %get3A_27 = arith.constant 0 : index
    %get3A_28 = vector.load %arg9[%get3A_26, %get3A_27] : memref<128x128xf32, #tpu.memory_space<vmem>>, vector<128x128xf32>
    %dot_general3A = arith.constant dense<0.000000e+00> : vector<128x128xf32>
    %dot_general3A_29 = tpu.matmul %convert_element_type3A_25, %max3A_17, %dot_general3A {dimension_numbers = #tpu.dot_dimension_numbers<[1], [0], [0], [1], [0, 0, 1, 1], [], []>, transpose_lhs_hint = false} : vector<128x256xf32>, vector<256x128xf32>, vector<128x128xf32> -> vector<128x128xf32>
    %add3A_30 = arith.addf %get3A_28, %dot_general3A_29 : vector<128x128xf32>
    %swap3A = arith.constant 0 : index
    %swap3A_31 = arith.constant 0 : index
    %swap3A_32 = vector.load %arg9[%swap3A, %swap3A_31] : memref<128x128xf32, #tpu.memory_space<vmem>>, vector<128x128xf32>
    tpu.vector_store %arg9[%swap3A, %swap3A_31], %add3A_30 {strides = array<i32>} : memref<128x128xf32, #tpu.memory_space<vmem>>, vector<128x128xf32>,
    %get3A_33 = arith.constant 0 : index
    %get3A_34 = arith.constant 0 : index
    %get3A_35 = vector.load %arg10[%get3A_33, %get3A_34] : memref<128x1xf32, #tpu.memory_space<vmem>>, vector<128x1xf32>
    %reduce_sum3A = arith.constant dense<0.000000e+00> : vector<128xf32>
    %reduce_sum3A_36 = vector.multi_reduction <add>, %convert_element_type3A_25, %reduce_sum3A [1] : vector<128x256xf32> to vector<128xf32>
    %broadcast_in_dim3A = vector.shape_cast %reduce_sum3A_36 : vector<128xf32> to vector<128x1xf32>
    %add3A_37 = arith.addf %get3A_35, %broadcast_in_dim3A : vector<128x1xf32>
    %swap3A_38 = arith.constant 0 : index
    %swap3A_39 = arith.constant 0 : index
    %swap3A_40 = vector.load %arg10[%swap3A_38, %swap3A_39] : memref<128x1xf32, #tpu.memory_space<vmem>>, vector<128x1xf32>
    tpu.vector_store %arg10[%swap3A_38, %swap3A_39], %add3A_37 {strides = array<i32>} : memref<128x1xf32, #tpu.memory_space<vmem>>, vector<128x1xf32>,
    %eq3A_41 = arith.constant 39 : i32
    %eq3A_42 = arith.cmpi eq, %arg0, %eq3A_41 : i32
    %convert_element_type3A_43 = arith.extui %eq3A_42 : i1 to i32
    %cond3A_44 = arith.constant 0 : i32
    %cond3A_45 = arith.cmpi ne, %convert_element_type3A_43, %cond3A_44 : i32
    scf.if %cond3A_45 {
      %get3A_46 = arith.constant 0 : index
      %get3A_47 = arith.constant 0 : index
      %get3A_48 = vector.load %arg9[%get3A_46, %get3A_47] : memref<128x128xf32, #tpu.memory_space<vmem>>, vector<128x128xf32>
      %get3A_49 = arith.constant 0 : index
      %get3A_50 = arith.constant 0 : index
      %get3A_51 = vector.load %arg10[%get3A_49, %get3A_50] : memref<128x1xf32, #tpu.memory_space<vmem>>, vector<128x1xf32>
      %max3A_52 = arith.constant 1.000000e+00 : f32
      %max3A_53 = vector.broadcast %max3A_52 : f32 to vector<128x1xf32>
      %max3A_54 = arith.maximumf %get3A_51, %max3A_53 : vector<128x1xf32>
      %div3A = vector.broadcast %max3A_54 : vector<128x1xf32> to vector<128x128xf32>
      %div3A_55 = arith.divf %get3A_48, %div3A : vector<128x128xf32>
      %get3A_56 = arith.constant 0 : index
      %get3A_57 = arith.constant 0 : index
      %get3A_58 = vector.load %arg6[%get3A_56, %get3A_57] : memref<128x128xf32, #tpu.memory_space<vmem>>, vector<128x128xf32>
      %dot_general3A_59 = arith.constant dense<0.000000e+00> : vector<128x128xf32>
      %dot_general3A_60 = tpu.matmul %div3A_55, %get3A_58, %dot_general3A_59 {dimension_numbers = #tpu.dot_dimension_numbers<[1], [0], [0], [1], [0, 0, 1, 1], [], []>, transpose_lhs_hint = false} : vector<128x128xf32>, vector<128x128xf32>, vector<128x128xf32> -> vector<128x128xf32>
      %get3A_61 = arith.constant 0 : index
      %get3A_62 = arith.constant 0 : index
      %get3A_63 = vector.load %arg7[%get3A_61, %get3A_62] : memref<1x128xf32, #tpu.memory_space<vmem>>, vector<1x128xf32>
      %add3A_64 = vector.broadcast %get3A_63 : vector<1x128xf32> to vector<128x128xf32>
      %add3A_65 = arith.addf %dot_general3A_60, %add3A_64 : vector<128x128xf32>
      %swap3A_66 = arith.constant 0 : index
      %swap3A_67 = arith.constant 0 : index
      %swap3A_68 = vector.load %arg8[%swap3A_66, %swap3A_67] : memref<128x128xf32, #tpu.memory_space<vmem>>, vector<128x128xf32>
      tpu.vector_store %arg8[%swap3A_66, %swap3A_67], %add3A_65 {strides = array<i32>} : memref<128x128xf32, #tpu.memory_space<vmem>>, vector<128x128xf32>,
    } else {
    }
    return
  }
  func.func @transform_0(%arg0: i32) -> (i32, i32) {
    %c0_i32 = arith.constant 0 : i32
    %c0_i32_0 = arith.constant 0 : i32
    return %arg0, %c0_i32 : i32, i32
  }
  func.func @transform_1(%arg0: i32) -> (i32, i32) {
    %c0_i32 = arith.constant 0 : i32
    %c0_i32_0 = arith.constant 0 : i32
    return %arg0, %c0_i32 : i32, i32
  }
  func.func @transform_2(%arg0: i32) -> (i32, i32) {
    %c0_i32 = arith.constant 0 : i32
    %c0_i32_0 = arith.constant 0 : i32
    return %arg0, %c0_i32 : i32, i32
  }
  func.func @transform_3(%arg0: i32) -> (i32, i32) {
    %c0_i32 = arith.constant 0 : i32
    %c0_i32_0 = arith.constant 0 : i32
    %c0_i32_1 = arith.constant 0 : i32
    return %c0_i32, %c0_i32_0 : i32, i32
  }
  func.func @transform_4(%arg0: i32) -> (i32, i32, i32) {
    %c0_i32 = arith.constant 0 : i32
    %c0_i32_0 = arith.constant 0 : i32
    %c0_i32_1 = arith.constant 0 : i32
    return %arg0, %c0_i32, %c0_i32_0 : i32, i32, i32
  }
  func.func @transform_5(%arg0: i32) -> (i32, i32) {
    %c0_i32 = arith.constant 0 : i32
    %c0_i32_0 = arith.constant 0 : i32
    %c0_i32_1 = arith.constant 0 : i32
    return %c0_i32, %c0_i32_0 : i32, i32
  }
  func.func @transform_6(%arg0: i32) -> (i32, i32) {
    %c0_i32 = arith.constant 0 : i32
    %c0_i32_0 = arith.constant 0 : i32
    %c0_i32_1 = arith.constant 0 : i32
    return %c0_i32, %c0_i32_0 : i32, i32
  }
  func.func @transform_7(%arg0: i32) -> (i32, i32) {
    %c0_i32 = arith.constant 0 : i32
    %c0_i32_0 = arith.constant 0 : i32
    %c0_i32_1 = arith.constant 0 : i32
    return %c0_i32, %c0_i32_0 : i32, i32
  }
}

</mosaic_0001>

<sc_bundles>
// kernel: kernel.10.cloned.1.call-start
scs
__scs_entry_jumppad:
0x0: {  	(pc) =	sbr.rel $0x88, $3  }
0x1: {  	(tag) =	ssettag $0x0;
	lr =	simm.s32 $0x1  }
0x2: {  	[smem:$0x3F96] =	sst lr;
	_ =	strace $0xD0000000  }
0x3: {  	_ = 	snop  }
0x4: {  	_ = 	snop  }
0x5: {  	_ = 	snop  }
0x6: {  	_ = 	snop  }
0x7: {  	_ = 	snop  }
__scs_overlays_trampoline_lowered:
0x8: {  	[smem:$0x3FA5] =	sst s0  }
0x9: {  	[smem:$0x3FA6] =	sst s1  }
0xa: {  	[smem:$0x3FA7] =	sst s2  }
0xb: {  	[smem:$0x3FA8] =	sst s3  }
0xc: {  	[smem:$0x3FA9] =	sst s4  }
0xd: {  	[smem:$0x3FAA] =	sst s5  }
0xe: {  	[smem:$0x3FAB] =	sst s6  }
0xf: {  	[smem:$0x3FAC] =	sst s7  }
0x10: {  	[smem:$0x3FAD] =	sst s8  }
0x11: {  	[smem:$0x3FAE] =	sst s9;
	s0 =	simm.s32 @!p0 $0x0  }
0x12: {  	s1 =	sld [smem:$0x3F94];
	s0 =	simm.s32 @p0 $0x1  }
0x13: {  	[smem:$0x3FAF] =	sst s0;
	s0 =	simm.s32 @!p1 $0x0  }
0x14: {  	s2 =	sld [smem:$0x3F93];
	s0 =	simm.s32 @p1 $0x1  }
0x15: {  	[smem:$0x3FB0] =	sst s0;
	s0 =	simm.s32 @!p2 $0x0  }
0x16: {  	s3 =	sld [smem:$0x3FDB];
	s0 =	simm.s32 @p2 $0x1  }
0x17: {  	s4 =	simm.s32 $0x1BF5;
	[smem:$0x3FB2] =	sst s0  }
0x18: {  	s0 =	sld [smem:$0x3F95];
	_ =	swait.ge [sflag:s4], $0x0  }
0x19: {  	s7 =	sld [smem:$0x3F96]  }
0x1a: {  	s8 =	sadd.s32 $0xFFFFE003, lr  }
0x1b: {  	s9 =	sadd.s32 $0xFFFFFEF7, lr;
	s5 =	simm.s32 $0xFFFFFFFF;
	p2 =	slt.u32 s8, $0xFFFFF086  }
0x1c: {  	p1 =	slt.u32 s9, $0xF7A;
	s5 =	simm.s32 @!p2 $0x0  }
0x1d: {  	s5 =	simm.s32 @p1 $0x1;
	p0 =	seq.s32 s7, s2  }
0x1e: {  	s7 =	smul.u32 @!p0 $0xF7A, s2;
	p2 =	seq.s32 @!p0 s5, $0x0  }
0x1f: {  	s9 =	smul.u32 $0xF7A, s1;
	s8 =	simm.s32 @!p0 $0x1BF5;
	p2 =	por !p2, p0  }
0x20: {  	[sflag:s8] =	ssyncset.s32 @!p0 $0xFFFFF086;
	s6 =	sadd.s32 @!p0 s3, s7;
	s7 =	simm.s32 @!p0 $0x108  }
0x21: {  	s3 =	sadd.s32 s3, s9;
	s6 =	sadd.s32 @!p0 $0x88, s6;
	s7 =	simm.s32 @p2 $0x1082  }
0x22: {  	[simem:s7], [sflag:s8] =	dma.local @!p0 [hbm:s6], $0xF7A  }
0x23: {  	s9 =	sor.u32 $0xD0000000, s2;
	s6 =	simm.s32 $0x108;
	_ =	swait.ge @!p0 [sflag:s8], $0x0  }
0x24: {  	s3 =	sadd.s32 $0x88, s3;
	s6 =	simm.s32 @!p1 $0x1082;
	[sflag:s4] =	ssyncset.s32 $0xFFFFF086  }
0x25: {  	[simem:s6], [sflag:s4] =	dma.local [hbm:s3], $0xF7A  }
0x26: {  	[smem:$0x3F96] =	sst s1;
	(tag) =	ssettag s2;
	_ =	strace s9  }
0x27: {  	s1 =	sld [smem:$0x3FA6]  }
0x28: {  	s2 =	sld [smem:$0x3FA7]  }
0x29: {  	s4 =	sld [smem:$0x3FA9]  }
0x2a: {  	p0 =	seq.s32 s5, $0x0;
	s5 =	sld [smem:$0x3FAA]  }
0x2b: {  	s6 =	sld [smem:$0x3FAB]  }
0x2c: {  	s7 =	sld [smem:$0x3FAC]  }
0x2d: {  	s3 =	simm.s32 $0x108;
	s8 =	sld [smem:$0x3FAD]  }
0x2e: {  	s3 =	simm.s32 @!p0 $0x1082;
	s9 =	sld [smem:$0x3FAE]  }
0x2f: {  	lr =	sadd.s32 s0, s3;
	s0 =	sld [smem:$0x3FA5]  }
0x30: {  	s3 =	sld [smem:$0x3FA8]  }
0x31: {  	[smem:$0x3FB1] =	sst s10  }
0x32: {  	s10 =	sld [smem:$0x3FAF];
	_ =	sdelay $0x3  }
0x33: {  	p0 =	seq.s32 s10, $0x1;
	s10 =	sld [smem:$0x3FB1];
	_ =	sdelay $0x3  }
0x34: {  	[smem:$0x3FB1] =	sst s10  }
0x35: {  	s10 =	sld [smem:$0x3FB0];
	_ =	sdelay $0x3  }
0x36: {  	p1 =	seq.s32 s10, $0x1;
	s10 =	sld [smem:$0x3FB1];
	_ =	sdelay $0x3  }
0x37: {  	[smem:$0x3FB1] =	sst s10  }
0x38: {  	s10 =	sld [smem:$0x3FB2]  }
0x39: {  	_ = 	snop;
	(pc) =	sbr.ind lr, $3  }
0x3a: {  	_ = 	snop  }
0x3b: {  	_ = 	snop  }
0x3c: {  	p2 =	seq.s32 s10, $0x1;
	s10 =	sld [smem:$0x3FB1]  }
0x3d: {  	_ =	shalt  }
0x3e: {  	_ =	shalt  }
0x3f: {  	_ =	shalt  }
0x40: {  	_ =	shalt  }
0x41: {  	_ =	shalt  }
0x42: {  	_ =	shalt  }
0x43: {  	_ =	shalt  }
0x44: {  	_ =	shalt  }
0x45: {  	_ =	shalt  }
0x46: {  	_ =	shalt  }
0x47: {  	_ =	shalt  }
0x48: {  	_ =	shalt  }
0x49: {  	_ =	shalt  }
0x4a: {  	_ =	shalt  }
0x4b: {  	_ =	shalt  }
0x4c: {  	_ =	shalt  }
0x4d: {  	_ =	shalt  }
0x4e: {  	_ =	shalt  }
0x4f: {  	_ =	shalt  }
0x50: {  	_ =	shalt  }
0x51: {  	_ =	shalt  }
0x52: {  	_ =	shalt  }
0x53: {  	_ =	shalt  }
0x54: {  	_ =	shalt  }
0x55: {  	_ =	shalt  }
0x56: {  	_ =	shalt  }
0x57: {  	_ =	shalt  }
0x58: {  	_ =	shalt  }
0x59: {  	_ =	shalt  }
0x5a: {  	_ =	shalt  }
0x5b: {  	_ =	shalt  }
0x5c: {  	_ =	shalt  }
0x5d: {  	_ =	shalt  }
0x5e: {  	_ =	shalt  }
0x5f: {  	_ =	shalt  }
0x60: {  	_ =	shalt  }
0x61: {  	_ =	shalt  }
0x62: {  	_ =	shalt  }
0x63: {  	_ =	shalt  }
0x64: {  	_ =	shalt  }
0x65: {  	_ =	shalt  }
0x66: {  	_ =	shalt  }
0x67: {  	_ =	shalt  }
0x68: {  	_ =	shalt  }
0x69: {  	_ =	shalt  }
0x6a: {  	_ =	shalt  }
0x6b: {  	_ =	shalt  }
0x6c: {  	_ =	shalt  }
0x6d: {  	_ =	shalt  }
0x6e: {  	_ =	shalt  }
0x6f: {  	_ =	shalt  }
0x70: {  	_ =	shalt  }
0x71: {  	_ =	shalt  }
0x72: {  	_ =	shalt  }
0x73: {  	_ =	shalt  }
0x74: {  	_ =	shalt  }
0x75: {  	_ =	shalt  }
0x76: {  	_ =	shalt  }
0x77: {  	_ =	shalt  }
0x78: {  	_ =	shalt  }
0x79: {  	_ =	shalt  }
0x7a: {  	_ =	shalt  }
0x7b: {  	_ =	shalt  }
0x7c: {  	_ =	shalt  }
0x7d: {  	_ =	shalt  }
0x7e: {  	_ =	shalt  }
0x7f: {  	_ =	shalt  }
0x80: {  	_ =	shalt  }
0x81: {  	_ =	shalt  }
0x82: {  	_ =	shalt  }
0x83: {  	_ =	shalt  }
0x84: {  	_ =	shalt  }
0x85: {  	_ =	shalt  }
0x86: {  	_ =	shalt  }
0x87: {  	_ =	shalt  }
.Lfunc_end0:
.L_simem_size_0:
called_computation_lowered:
.L_overlay_start_0:
0x88: {  	s2 =	sld [smem:$0x3FD9]  }
0x89: {  	s3 =	sld [smem:$0x3FFE];
	_ =	sdelay $0x1  }
0x8a: {  	s1 =	srdreg.scid  }
0x8b: {  	s0 =	sand.u32 $0x1, s1  }
0x8c: {  	s16 =	sshll.u32 s0, $0xA;
	s2 =	sadd.s32 s3, s2  }
0x8d: {  	s2 =	sadd.s32 s2, s16  }
0x8e: {  	[smem:$0x3FBD] =	sst s2  }
0x8f: {  	_ = 	snop  }
0x90: {  	(tm) =	ssettm $0x1  }
0x91: {  	s17 =	sld [smem:$0x3FFB];
	_ =	sdelay $0x3  }
0x92: {  	_ =	strace s17  }
0x93: {  	s2 =	sld [smem:$0x3FFC];
	_ =	sdelay $0x3  }
0x94: {  	_ =	strace s2  }
0x95: {  	s2 =	sld [smem:$0x3FFD];
	_ =	sdelay $0x3  }
0x96: {  	_ =	strace s2  }
0x97: {  	_ =	strace $0x8FFFFFFF  }
0x98: {  	s18 =	sld [smem:$0x3FDB];
	_ =	sdelay $0x1  }
0x99: {  	s19 =	simm.s32 $_scs_section_size  }
0x9a: {  	s4 =	simm.s32 $_size__tile_overlayer_lowered;
	s5 =	simm.s32 $_tile_overlayer_lowered  }
0x9b: {  	s22 =	simm.s32 $0x1BFF;
	s21 =	sshll.u32 s5, $0x1;
	s2 =	sadd.s32 s19, s18  }
0x9c: {  	s6 =	simm.s32 $0x0;
	s20 =	sshll.u32 s4, $0x1;
	s4 =	sadd.s32 s21, s2  }
0x9d: {  	[timem:s6], [sflag:s22] =	dma.local [hbm:s4], s20  }
0x9e: {  	_ =	swait.ge [sflag:s22], s20  }
0x9f: {  	s3 =	ssub.s32 $0x0, s20;
	[sflag:s22] =	ssyncset.done $0x0  }
0xa0: {  	[sflag:s22] =	ssyncadd.s32 s3;
	_ =	sdelay $0x1  }
0xa1: {  	s23 =	simm.s32 $0x1B8B  }
0xa2: {  	_ =	swait.ge [sflag:s23], $0x1  }
0xa3: {  	[sflag:s23] =	ssyncset.done $0x0  }
0xa4: {  	s25 =	simm.s32 $0x1B8E;
	s24 =	sld [smem:$0x3FFE];
	[sflag:s23] =	ssyncadd.s32 $0xFFFFFFFF  }
0xa5: {  	s26 =	simm.s32 $execute0_lowered;
	[smem:$0x3FD2] =	sst s25  }
0xa6: {  	s4 =	sshll.u32 s26, $0x1;
	_ =	strace $0x80000046;
	[dreg:$0x1] =	wrdreg $0xFFFFFFFF  }
0xa7: {  	s28 =	simm.s32 $_size_execute0_lowered;
	s2 =	sadd.s32 s2, s4;
	[dreg:$0x0] =	wrdreg $0x0  }
0xa8: {  	s4 =	sshll.u32 s28, $0x1;
	[dreg:$0x2] =	wrdreg s2  }
0xa9: {  	[dreg:$0x3] =	wrdreg s4  }
0xaa: {  	[dreg:$0x4] =	wrdreg $0xC0  }
0xab: {  	_ =	task [dreg:s6], $0x5FFFF  }
0xac: {  	[dreg:$0x1] =	wrdreg $0xFFFFFFFF  }
0xad: {  	[dreg:$0x0] =	wrdreg $0x60  }
0xae: {  	[dreg:$0x2] =	wrdreg s24  }
0xaf: {  	[dreg:$0x3] =	wrdreg $0x60000  }
0xb0: {  	[dreg:$0x4] =	wrdreg $0x9  }
0xb1: {  	_ =	task.clear_ibuf [dreg:s6], $0x5FFFF;
	_ =	strace $0x90000046  }
0xb2: {  	s29 =	simm.s32 $0x9;
	_ =	strace $0x80000048  }
0xb3: {  	_ =	swait.ge [sflag:s29], $0x1  }
0xb4: {  	[sflag:s29] =	ssyncadd.s32 $0xFFFFFFFF  }
0xb5: {  	_ =	strace $0x90000048  }
0xb6: {  	_ =	sfence  }
0xb7: {  	s30 =	sld [smem:$0x0];
	_ =	sdelay $0x2  }
0xb8: {  	s31 =	sshll.u32 s1, $0xD;
	s1 =	sshrl.u32 s1, $0x2  }
0xb9: {  	s3 =	sand.u32 $0x4000, s31;
	s1 =	sadd.s32 s1, s30  }
0xba: {  	s0 =	sor.u32 s3, s0;
	s1 =	sshll.u32 s1, $0x11  }
0xbb: {  	s0 =	sor.u32 s1, s0  }
0xbc: {  	s0 =	sadd.s32 $0x8F2B, s0  }
0xbd: {  	[sflag:s0] =	ssyncadd.remote.s32 $0x1  }
0xbe: {  	_ =	sfence.sel $0xFFFF  }
0xbf: {  	[dreg:$0x0] =	wrdreg $0xFFFFFFFF;
	(pc) =	sbr.abs _section_cstart, $3  }
0xc0: {  	[dreg:$0x1] =	wrdreg $0xFFFFFFFF  }
0xc1: {  	_ =	task.clear_ibuf [dreg:s6], $0x2FFFF;
	_ =	strace $0x9FFFFFFF  }
0xc2: {  	(tm) =	ssettm $0x7FFFFFFF  }
0xc3: {  	_ =	shalt  }
tec
execute0_lowered:
.L_overlay_start_1:
0x0: {  	(tag) =	ssettag $0x1  }
0x1: {  	s3 =	rddreg [dreg:$0x0]  }
0x2: {  	s5 =	rddreg [dreg:$0x1]  }
0x3: {  	s1 =	srdreg.scid;
	s0 =	stileid.u32;
	s10 =	simm.s32 $0x1  }
0x4: {  	s11 =	simm.s32 $0x3000;
	s12 =	simm.s32 $0x5C00;
	s13 =	simm.s32 $0x5800  }
0x5: {  	s14 =	simm.s32 $0x0;
	s4 =	sand.u32 $0x1, s1;
	s24 =	sshrl.u32 s0, $0x2  }
0x6: {  	s2 =	sshll.u32 s0, $0x8;
	s1 =	rddreg [dreg:$0x2];
	s26 =	sshll.u32 s0, $0xA  }
0x7: {  	s28 =	sshrl.u32 s0, $0x3;
	s29 =	sshll.u32 s0, $0x7;
	s31 =	sshll.u32 s0, $0xD  }
0x8: {  	p0 =	sgt.u32 s0, $0x9;
	s6 =	smul.u32 $0x18000, s24;
	s7 =	sshll.u32 s4, $0x7  }
0x9: {  	s8 =	sand.u32 $0x300, s2;
	s2 =	simm.s32 $0x0;
	s25 =	smul.u32 $0x2800, s4  }
0xa: {  	s4 =	ssub.s32 $0x2, s4;
	s7 =	sor.u32 s7, s8;
	[smem:$0x7FF] =	sst s2  }
0xb: {  	s9 =	sshrl.u32 s4, $0x1;
	s8 =	smul.u32 $0x50000, s28;
	s6 =	sor.u32 s6, s7  }
0xc: {  	_ =	strace $0x80000047;
	s7 =	sadd.s32 s26, s25;
	s9 =	ssub.s32 s4, s9  }
.Ltmp0:
0xd: {  	s4 =	sand.u32 $0x380, s29;
	s6 =	sshrl.u32 s6, $0x3;
	(pc) =	sbr.rel .LBB2_1-.Ltmp0, $4  }
0xe: {  	s7 =	sshrl.u32 s7, $0x3;
	s30 =	sshrl.u32 s8, $0x2;
	s6 =	sadd.s32 s6, s3  }
0xf: {  	s7 =	sadd.s32 s7, s3;
	s3 =	sadd.s32 $0x4600, s6;
	s6 =	sadd.s32 s30, s5  }
0x10: {  	s8 =	simm.s32 $0x80;
	s5 =	sadd.s32 s31, s5;
	s4 =	sadd.s32 s4, s6  }
0x11: {  	v0 =	vimm.f32 $0.0e+00;
	v1 =	vimm.f32 $1.000000000e+00;
	s6 =	sadd.s32 $0x10600, s7;
	s7 =	smax.u32 s9, $0x1;
	s9 =	simm.s32 $0x400  }
.LBB2_13:
0x12: {  	s14 =	sadd.s32 $0x1, s14  }
0x13: {  	p1 =	sne.s32 s14, s7  }
.Ltmp1:
0x14: {  	_ = 	snop;
	(pc) =	sbr.rel @!p1 .LBB2_14-.Ltmp1, $1  }
0x15: {  	_ =	sdelay $0x3  }
.LBB2_1:
0x16: {  	[tilespmem:s2], [sflag:$0x1] =	stream.strided.gather [hbm4b:s3+s8], $0x3000, s9, s8, $0x38;
	[tilespmem:$0x8800] =	vst v63  }
0x17: {  	_ =	swait.ge [sflag:s10], $0x3000  }
0x18: {  	[sflag:s10] =	ssyncset.done $0x0  }
0x19: {  	s15 =	simm.s32 $0x0;
	[sflag:s10] =	ssyncadd.s32 $0xFFFFD000  }
.LBB2_2:
0x1a: {  	p1 =	sne.s32 s15, $0x9FC0  }
.Ltmp2:
0x1b: {  	_ = 	snop;
	(pc) =	sbr.rel @p1 .LBB2_2-.Ltmp2, $3  }
0x1c: {  	_ =	sdelay $0x1  }
0x1d: {  	s16 =	sshra.s32 s15, $0x2  }
0x1e: {  	s15 =	sadd.s32 $0x40, s15;
	[tilespmem:s16+$0x3000] =	vst v0  }
0x1f: {  	s16 =	simm.s32 $0x0;
	s15 =	simm.s32 $0x40  }
.LBB2_4:
0x20: {  	p1 =	sne.s32 s15, $0xBFC0;
	v2 =	vld [tilespmem:s16+$0x0];
	_ =	sdelay $0x3  }
.Ltmp3:
0x21: {  	(pc) =	sbr.rel @p1 .LBB2_4-.Ltmp3, $2  }
0x22: {  	_ =	sdelay $0x2  }
0x23: {  	s16 =	sshra.s32 s15, $0x2;
	s15 =	sadd.s32 $0x40, s15;
	[tilespmem:v2+s11+$0x0] =	vst.idx.add.f32.msk $0xffff, v1  }
0x24: {  	v2 =	vld [tilespmem:s16+$0x0];
	_ =	sdelay $0x7  }
0x25: {  	[tilespmem:v2+s11+$0x0] =	vst.idx.add.f32.msk $0xffff, v1  }
0x26: {  	[spmem:s4] =	stream.strided.scatter [tilespmem:s11], [sflag:$0x1], $0x2800, s9, s8, $0x38;
	[tilespmem:$0x8800] =	vst v63  }
.Ltmp4:
0x27: {  	_ =	swait.ge [sflag:s10], $0x2800;
	(pc) =	sbr.rel @p0 .LBB2_13-.Ltmp4, $4  }
0x28: {  	[sflag:s10] =	ssyncset.done $0x0  }
0x29: {  	[sflag:s10] =	ssyncadd.s32 $0xFFFFD800  }
0x2a: {  	[bflag:$0x0] =	sbarrier.arrive $0xFFFF  }
0x2b: {  	s15 =	simm.s32 $0x0  }
0x2c: {  	s16 =	simm.s32 $0x40;
	s17 =	simm.s32 $0x0  }
.LBB2_7:
0x2d: {  	p1 =	sne.s32 s16, $0xFC0;
	[tilespmem:s17+$0x5800] =	vst v0;
	s17 =	smov.u32 s16;
	s16 =	sadd.s32 $0x40, s16  }
.Ltmp5:
0x2e: {  	(pc) =	sbr.rel @p1 .LBB2_7-.Ltmp5, $2  }
0x2f: {  	_ =	sdelay $0x2  }
0x30: {  	s17 =	sshra.s32 s17, $0x2  }
0x31: {  	[tilespmem:s17+$0x5800] =	vst v0  }
.LBB2_9:
0x32: {  	s16 =	sshrl.u32 s15, $0x3  }
0x33: {  	s16 =	smul.u32 $0x50000, s16;
	_ =	sdelay $0x1  }
0x34: {  	s17 =	sshll.u32 s15, $0x7;
	s16 =	sshra.s32 s16, $0x2  }
0x35: {  	s17 =	sand.u32 $0x380, s17;
	s16 =	sadd.s32 s16, s5  }
0x36: {  	s16 =	sadd.s32 s17, s16  }
0x37: {  	[tilespmem:s12], [sflag:$0x1] =	stream.strided.gather [spmem:s16], $0x400, s9, s8, $0x38;
	[tilespmem:$0x8800] =	vst v63  }
0x38: {  	_ =	swait.ge [sflag:s10], $0x400  }
0x39: {  	[sflag:s10] =	ssyncset.done $0x0  }
0x3a: {  	s16 =	simm.s32 $0x0;
	[sflag:s10] =	ssyncadd.s32 $0xFFFFFC00  }
0x3b: {  	s17 =	simm.s32 $0x40;
	v2 =	vld [tilespmem:s16+$0x5C00]  }
.LBB2_10:
0x3c: {  	p1 =	sne.s32 s17, $0xFC0;
	v3 =	vld [tilespmem:s16+$0x5800];
	_ =	sdelay $0x2  }
.Ltmp6:
0x3d: {  	(pc) =	sbr.rel @p1 .LBB2_10-.Ltmp6, $4  }
0x3e: {  	_ = 	snop  }
0x3f: {  	v3 =	vadd.f32 v2, v3  }
0x40: {  	s18 =	sshra.s32 s17, $0x2  }
0x41: {  	s17 =	sadd.s32 $0x40, s17;
	v2 =	vld [tilespmem:s18+$0x5C00];
	[tilespmem:s16+$0x5800] =	vst v3;
	s16 =	smov.u32 s18  }
0x42: {  	v3 =	vld [tilespmem:s16+$0x5800]  }
0x43: {  	s15 =	sadd.s32 $0x1, s15  }
0x44: {  	p1 =	sne.s32 s15, $0x10  }
.Ltmp7:
0x45: {  	_ = 	snop;
	(pc) =	sbr.rel @p1 .LBB2_9-.Ltmp7, $3  }
0x46: {  	_ = 	snop  }
0x47: {  	v2 =	vadd.f32 v2, v3;
	_ =	sdelay $0x1  }
0x48: {  	[tilespmem:s16+$0x5800] =	vst v2  }
.Ltmp8:
0x49: {  	(pc) =	sbr.rel .LBB2_13-.Ltmp8, $4  }
0x4a: {  	[hbm4b:s6+s2] =	stream.linear.scatter [tilespmem:s13], [sflag:$0x1], $0x400, $0x38;
	[tilespmem:$0x8800] =	vst v63  }
0x4b: {  	_ =	swait.ge [sflag:s10], $0x400  }
0x4c: {  	[sflag:s10] =	ssyncset.done $0x0  }
0x4d: {  	[sflag:s10] =	ssyncadd.s32 $0xFFFFFC00  }
.LBB2_14:
0x4e: {  	_ =	sfence.sel $0x180000  }
0x4f: {  	[bflag:$0x0] =	sbarrier.arrive $0xFFFF  }
0x50: {  	p0 =	sne.s32 s0, $0x0;
	_ =	strace $0x90000047  }
0x51: {  	s0 =	sadd.s32 @!p0 $0x100000, s1;
	[bflag:$0x2] =	sbarrier.arrive $0xFFFF  }
0x52: {  	[sflag:s0] =	ssyncadd.tile.s32 @!p0 $0x1;
	_ =	shalt  }
.Lfunc_end2:
_tile_overlayer_lowered:
.L_overlay_start_2:
0x53: {  	(tag) =	ssettag $0x2  }
0x54: {  	s0 =	rddreg [dreg:$0x0];
	s2 =	stileid.u32  }
0x55: {  	s1 =	rddreg [dreg:$0x1];
	p0 =	sne.s32 s2, $0x0  }
0x56: {  	s3 =	rddreg [dreg:$0x2];
	[bflag:$0x3] =	sbarrier.arrive $0xFFFF;
	s2 =	simm.s32 @!p0 $0x1C01  }
0x57: {  	[timem:s3], [sflag:s2] =	dma.local @!p0 [hbm:s0], s1  }
0x58: {  	s0 =	simm.s32 @!p0 $0x1  }
0x59: {  	_ =	swait.ge @!p0 [sflag:s0], s1  }
0x5a: {  	s1 =	ssub.s32 @!p0 $0x0, s1;
	[sflag:s0] =	ssyncset.done @!p0 $0x0  }
0x5b: {  	[sflag:s0] =	ssyncadd.s32 @!p0 s1  }
0x5c: {  	[bflag:$0x3] =	sbarrier.arrive $0xFFFF  }
0x5d: {  	_ =	shalt  }

// kernel: kernel.13.cloned.1.call-start
scs
__scs_entry_jumppad:
0x0: {  	(pc) =	sbr.rel $0x88, $3  }
0x1: {  	(tag) =	ssettag $0x0;
	lr =	simm.s32 $0x1  }
0x2: {  	[smem:$0x3F96] =	sst lr;
	_ =	strace $0xD0000000  }
0x3: {  	_ = 	snop  }
0x4: {  	_ = 	snop  }
0x5: {  	_ = 	snop  }
0x6: {  	_ = 	snop  }
0x7: {  	_ = 	snop  }
__scs_overlays_trampoline_lowered:
0x8: {  	[smem:$0x3FA5] =	sst s0  }
0x9: {  	[smem:$0x3FA6] =	sst s1  }
0xa: {  	[smem:$0x3FA7] =	sst s2  }
0xb: {  	[smem:$0x3FA8] =	sst s3  }
0xc: {  	[smem:$0x3FA9] =	sst s4  }
0xd: {  	[smem:$0x3FAA] =	sst s5  }
0xe: {  	[smem:$0x3FAB] =	sst s6  }
0xf: {  	[smem:$0x3FAC] =	sst s7  }
0x10: {  	[smem:$0x3FAD] =	sst s8  }
0x11: {  	[smem:$0x3FAE] =	sst s9;
	s0 =	simm.s32 @!p0 $0x0  }
0x12: {  	s1 =	sld [smem:$0x3F94];
	s0 =	simm.s32 @p0 $0x1  }
0x13: {  	[smem:$0x3FAF] =	sst s0;
	s0 =	simm.s32 @!p1 $0x0  }
0x14: {  	s2 =	sld [smem:$0x3F93];
	s0 =	simm.s32 @p1 $0x1  }
0x15: {  	[smem:$0x3FB0] =	sst s0;
	s0 =	simm.s32 @!p2 $0x0  }
0x16: {  	s3 =	sld [smem:$0x3FDB];
	s0 =	simm.s32 @p2 $0x1  }
0x17: {  	s4 =	simm.s32 $0x1BF5;
	[smem:$0x3FB2] =	sst s0  }
0x18: {  	s0 =	sld [smem:$0x3F95];
	_ =	swait.ge [sflag:s4], $0x0  }
0x19: {  	s7 =	sld [smem:$0x3F96]  }
0x1a: {  	s8 =	sadd.s32 $0xFFFFE003, lr  }
0x1b: {  	s9 =	sadd.s32 $0xFFFFFEF7, lr;
	s5 =	simm.s32 $0xFFFFFFFF;
	p2 =	slt.u32 s8, $0xFFFFF086  }
0x1c: {  	p1 =	slt.u32 s9, $0xF7A;
	s5 =	simm.s32 @!p2 $0x0  }
0x1d: {  	s5 =	simm.s32 @p1 $0x1;
	p0 =	seq.s32 s7, s2  }
0x1e: {  	s7 =	smul.u32 @!p0 $0xF7A, s2;
	p2 =	seq.s32 @!p0 s5, $0x0  }
0x1f: {  	s9 =	smul.u32 $0xF7A, s1;
	s8 =	simm.s32 @!p0 $0x1BF5;
	p2 =	por !p2, p0  }
0x20: {  	[sflag:s8] =	ssyncset.s32 @!p0 $0xFFFFF086;
	s6 =	sadd.s32 @!p0 s3, s7;
	s7 =	simm.s32 @!p0 $0x108  }
0x21: {  	s3 =	sadd.s32 s3, s9;
	s6 =	sadd.s32 @!p0 $0x88, s6;
	s7 =	simm.s32 @p2 $0x1082  }
0x22: {  	[simem:s7], [sflag:s8] =	dma.local @!p0 [hbm:s6], $0xF7A  }
0x23: {  	s9 =	sor.u32 $0xD0000000, s2;
	s6 =	simm.s32 $0x108;
	_ =	swait.ge @!p0 [sflag:s8], $0x0  }
0x24: {  	s3 =	sadd.s32 $0x88, s3;
	s6 =	simm.s32 @!p1 $0x1082;
	[sflag:s4] =	ssyncset.s32 $0xFFFFF086  }
0x25: {  	[simem:s6], [sflag:s4] =	dma.local [hbm:s3], $0xF7A  }
0x26: {  	[smem:$0x3F96] =	sst s1;
	(tag) =	ssettag s2;
	_ =	strace s9  }
0x27: {  	s1 =	sld [smem:$0x3FA6]  }
0x28: {  	s2 =	sld [smem:$0x3FA7]  }
0x29: {  	s4 =	sld [smem:$0x3FA9]  }
0x2a: {  	p0 =	seq.s32 s5, $0x0;
	s5 =	sld [smem:$0x3FAA]  }
0x2b: {  	s6 =	sld [smem:$0x3FAB]  }
0x2c: {  	s7 =	sld [smem:$0x3FAC]  }
0x2d: {  	s3 =	simm.s32 $0x108;
	s8 =	sld [smem:$0x3FAD]  }
0x2e: {  	s3 =	simm.s32 @!p0 $0x1082;
	s9 =	sld [smem:$0x3FAE]  }
0x2f: {  	lr =	sadd.s32 s0, s3;
	s0 =	sld [smem:$0x3FA5]  }
0x30: {  	s3 =	sld [smem:$0x3FA8]  }
0x31: {  	[smem:$0x3FB1] =	sst s10  }
0x32: {  	s10 =	sld [smem:$0x3FAF];
	_ =	sdelay $0x3  }
0x33: {  	p0 =	seq.s32 s10, $0x1;
	s10 =	sld [smem:$0x3FB1];
	_ =	sdelay $0x3  }
0x34: {  	[smem:$0x3FB1] =	sst s10  }
0x35: {  	s10 =	sld [smem:$0x3FB0];
	_ =	sdelay $0x3  }
0x36: {  	p1 =	seq.s32 s10, $0x1;
	s10 =	sld [smem:$0x3FB1];
	_ =	sdelay $0x3  }
0x37: {  	[smem:$0x3FB1] =	sst s10  }
0x38: {  	s10 =	sld [smem:$0x3FB2]  }
0x39: {  	_ = 	snop;
	(pc) =	sbr.ind lr, $3  }
0x3a: {  	_ = 	snop  }
0x3b: {  	_ = 	snop  }
0x3c: {  	p2 =	seq.s32 s10, $0x1;
	s10 =	sld [smem:$0x3FB1]  }
0x3d: {  	_ =	shalt  }
0x3e: {  	_ =	shalt  }
0x3f: {  	_ =	shalt  }
0x40: {  	_ =	shalt  }
0x41: {  	_ =	shalt  }
0x42: {  	_ =	shalt  }
0x43: {  	_ =	shalt  }
0x44: {  	_ =	shalt  }
0x45: {  	_ =	shalt  }
0x46: {  	_ =	shalt  }
0x47: {  	_ =	shalt  }
0x48: {  	_ =	shalt  }
0x49: {  	_ =	shalt  }
0x4a: {  	_ =	shalt  }
0x4b: {  	_ =	shalt  }
0x4c: {  	_ =	shalt  }
0x4d: {  	_ =	shalt  }
0x4e: {  	_ =	shalt  }
0x4f: {  	_ =	shalt  }
0x50: {  	_ =	shalt  }
0x51: {  	_ =	shalt  }
0x52: {  	_ =	shalt  }
0x53: {  	_ =	shalt  }
0x54: {  	_ =	shalt  }
0x55: {  	_ =	shalt  }
0x56: {  	_ =	shalt  }
0x57: {  	_ =	shalt  }
0x58: {  	_ =	shalt  }
0x59: {  	_ =	shalt  }
0x5a: {  	_ =	shalt  }
0x5b: {  	_ =	shalt  }
0x5c: {  	_ =	shalt  }
0x5d: {  	_ =	shalt  }
0x5e: {  	_ =	shalt  }
0x5f: {  	_ =	shalt  }
0x60: {  	_ =	shalt  }
0x61: {  	_ =	shalt  }
0x62: {  	_ =	shalt  }
0x63: {  	_ =	shalt  }
0x64: {  	_ =	shalt  }
0x65: {  	_ =	shalt  }
0x66: {  	_ =	shalt  }
0x67: {  	_ =	shalt  }
0x68: {  	_ =	shalt  }
0x69: {  	_ =	shalt  }
0x6a: {  	_ =	shalt  }
0x6b: {  	_ =	shalt  }
0x6c: {  	_ =	shalt  }
0x6d: {  	_ =	shalt  }
0x6e: {  	_ =	shalt  }
0x6f: {  	_ =	shalt  }
0x70: {  	_ =	shalt  }
0x71: {  	_ =	shalt  }
0x72: {  	_ =	shalt  }
0x73: {  	_ =	shalt  }
0x74: {  	_ =	shalt  }
0x75: {  	_ =	shalt  }
0x76: {  	_ =	shalt  }
0x77: {  	_ =	shalt  }
0x78: {  	_ =	shalt  }
0x79: {  	_ =	shalt  }
0x7a: {  	_ =	shalt  }
0x7b: {  	_ =	shalt  }
0x7c: {  	_ =	shalt  }
0x7d: {  	_ =	shalt  }
0x7e: {  	_ =	shalt  }
0x7f: {  	_ =	shalt  }
0x80: {  	_ =	shalt  }
0x81: {  	_ =	shalt  }
0x82: {  	_ =	shalt  }
0x83: {  	_ =	shalt  }
0x84: {  	_ =	shalt  }
0x85: {  	_ =	shalt  }
0x86: {  	_ =	shalt  }
0x87: {  	_ =	shalt  }
.Lfunc_end0:
.L_simem_size_0:
called_computation.1_lowered:
.L_overlay_start_0:
0x88: {  	s2 =	sld [smem:$0x3FD9]  }
0x89: {  	s3 =	sld [smem:$0x3FFE];
	_ =	sdelay $0x1  }
0x8a: {  	s1 =	srdreg.scid  }
0x8b: {  	s0 =	sand.u32 $0x1, s1  }
0x8c: {  	s16 =	sshll.u32 s0, $0xA;
	s2 =	sadd.s32 s3, s2  }
0x8d: {  	s2 =	sadd.s32 s2, s16  }
0x8e: {  	[smem:$0x3FBD] =	sst s2  }
0x8f: {  	_ = 	snop  }
0x90: {  	(tm) =	ssettm $0x1  }
0x91: {  	s17 =	sld [smem:$0x3FFB];
	_ =	sdelay $0x3  }
0x92: {  	_ =	strace s17  }
0x93: {  	s2 =	sld [smem:$0x3FFC];
	_ =	sdelay $0x3  }
0x94: {  	_ =	strace s2  }
0x95: {  	s2 =	sld [smem:$0x3FFD];
	_ =	sdelay $0x3  }
0x96: {  	_ =	strace s2  }
0x97: {  	_ =	strace $0x8FFFFFFF  }
0x98: {  	s18 =	sld [smem:$0x3FDB];
	_ =	sdelay $0x1  }
0x99: {  	s19 =	simm.s32 $_scs_section_size  }
0x9a: {  	s4 =	simm.s32 $_size__tile_overlayer_lowered;
	s5 =	simm.s32 $_tile_overlayer_lowered  }
0x9b: {  	s22 =	simm.s32 $0x1BFF;
	s21 =	sshll.u32 s5, $0x1;
	s2 =	sadd.s32 s19, s18  }
0x9c: {  	s6 =	simm.s32 $0x0;
	s20 =	sshll.u32 s4, $0x1;
	s4 =	sadd.s32 s21, s2  }
0x9d: {  	[timem:s6], [sflag:s22] =	dma.local [hbm:s4], s20  }
0x9e: {  	_ =	swait.ge [sflag:s22], s20  }
0x9f: {  	s3 =	ssub.s32 $0x0, s20;
	[sflag:s22] =	ssyncset.done $0x0  }
0xa0: {  	[sflag:s22] =	ssyncadd.s32 s3;
	_ =	sdelay $0x1  }
0xa1: {  	s23 =	simm.s32 $0x1B8B  }
0xa2: {  	_ =	swait.ge [sflag:s23], $0x1  }
0xa3: {  	[sflag:s23] =	ssyncset.done $0x0  }
0xa4: {  	s25 =	simm.s32 $0x1B8E;
	s24 =	sld [smem:$0x3FFE];
	[sflag:s23] =	ssyncadd.s32 $0xFFFFFFFF  }
0xa5: {  	s26 =	simm.s32 $execute0_lowered;
	[smem:$0x3FD2] =	sst s25  }
0xa6: {  	s4 =	sshll.u32 s26, $0x1;
	_ =	strace $0x80000049;
	[dreg:$0x1] =	wrdreg $0xFFFFFFFF  }
0xa7: {  	s28 =	simm.s32 $_size_execute0_lowered;
	s2 =	sadd.s32 s2, s4;
	[dreg:$0x0] =	wrdreg $0x0  }
0xa8: {  	s4 =	sshll.u32 s28, $0x1;
	[dreg:$0x2] =	wrdreg s2  }
0xa9: {  	[dreg:$0x3] =	wrdreg s4  }
0xaa: {  	[dreg:$0x4] =	wrdreg $0xC0  }
0xab: {  	_ =	task [dreg:s6], $0x5FFFF  }
0xac: {  	[dreg:$0x1] =	wrdreg $0xFFFFFFFF  }
0xad: {  	[dreg:$0x0] =	wrdreg $0x60  }
0xae: {  	[dreg:$0x2] =	wrdreg s24  }
0xaf: {  	[dreg:$0x3] =	wrdreg $0xA8000  }
0xb0: {  	[dreg:$0x4] =	wrdreg $0x9  }
0xb1: {  	_ =	task.clear_ibuf [dreg:s6], $0x5FFFF;
	_ =	strace $0x90000049  }
0xb2: {  	s29 =	simm.s32 $0x9;
	_ =	strace $0x8000004B  }
0xb3: {  	_ =	swait.ge [sflag:s29], $0x1  }
0xb4: {  	[sflag:s29] =	ssyncadd.s32 $0xFFFFFFFF  }
0xb5: {  	_ =	strace $0x9000004B  }
0xb6: {  	_ =	sfence  }
0xb7: {  	s30 =	sld [smem:$0x0];
	_ =	sdelay $0x2  }
0xb8: {  	s31 =	sshll.u32 s1, $0xD;
	s1 =	sshrl.u32 s1, $0x2  }
0xb9: {  	s3 =	sand.u32 $0x4000, s31;
	s1 =	sadd.s32 s1, s30  }
0xba: {  	s0 =	sor.u32 s3, s0;
	s1 =	sshll.u32 s1, $0x11  }
0xbb: {  	s0 =	sor.u32 s1, s0  }
0xbc: {  	s0 =	sadd.s32 $0x8F2B, s0  }
0xbd: {  	[sflag:s0] =	ssyncadd.remote.s32 $0x1  }
0xbe: {  	_ =	sfence.sel $0xFFFF  }
0xbf: {  	[dreg:$0x0] =	wrdreg $0xFFFFFFFF;
	(pc) =	sbr.abs _section_cstart, $3  }
0xc0: {  	[dreg:$0x1] =	wrdreg $0xFFFFFFFF  }
0xc1: {  	_ =	task.clear_ibuf [dreg:s6], $0x2FFFF;
	_ =	strace $0x9FFFFFFF  }
0xc2: {  	(tm) =	ssettm $0x7FFFFFFF  }
0xc3: {  	_ =	shalt  }
tec
execute0_lowered:
.L_overlay_start_1:
0x0: {  	(tag) =	ssettag $0x1  }
0x1: {  	s1 =	srdreg.scid  }
0x2: {  	s0 =	stileid.u32;
	s5 =	rddreg [dreg:$0x0]  }
0x3: {  	s2 =	rddreg [dreg:$0x1];
	s3 =	simm.s32 $0x0;
	s13 =	simm.s32 $0xA000  }
0x4: {  	s14 =	simm.s32 $0x80;
	s15 =	simm.s32 $0x6000;
	s16 =	simm.s32 $0x1  }
0x5: {  	s17 =	simm.s32 $0x0;
	s6 =	sand.u32 $0x1, s1;
	s9 =	smul.u32 $0x14000, s0  }
0x6: {  	s29 =	sshll.u32 s0, $0x1;
	[smem:$0x7FF] =	sst s3;
	s11 =	smul.u32 $0x50000, s0  }
0x7: {  	s4 =	sadd.s32 $0x29000, s5;
	s1 =	sor.u32 s6, s29;
	s8 =	smul.u32 $0x140000, s6  }
0x8: {  	s30 =	ssub.s32 $0x2, s6;
	p0 =	seq.s32 s6, $0x0;
	s6 =	simm.s32 $0x60  }
0x9: {  	s7 =	smul.u32 $0x600, s1;
	s1 =	rddreg [dreg:$0x2];
	_ =	strace $0x8000004A  }
0xa: {  	s10 =	sshrl.u32 s30, $0x1;
	s31 =	sshrl.u32 s11, $0x2;
	s6 =	simm.s32 @!p0 $0x42  }
0xb: {  	s11 =	simm.s32 $0x2;
	s8 =	sadd.s32 s9, s8;
	s10 =	ssub.s32 s30, s10  }
0xc: {  	s7 =	sadd.s32 s7, s5;
	s8 =	sshrl.u32 s8, $0x3;
	s10 =	smax.u32 s10, $0x1  }
0xd: {  	s12 =	sadd.s32 s8, s5;
	s5 =	sadd.s32 $0x1D000, s7;
	s7 =	sadd.s32 $0x11000, s7  }
0xe: {  	v0 =	vimm.f32 $0.0e+00;
	s8 =	sadd.s32 s31, s2;
	s9 =	sadd.s32 $0x51000, s12;
	s12 =	simm.s32 $0x3000  }
.LBB2_1:
0xf: {  	[tilespmem:s3], [sflag:$0x2] =	stream.linear.gather [hbm4b:s5+s3], $0x3000, $0x38;
	[tilespmem:$0x1E800] =	vst v63  }
0x10: {  	_ =	swait.ge [sflag:s11], $0x3000  }
0x11: {  	[sflag:s11] =	ssyncset.done $0x0  }
0x12: {  	[sflag:s11] =	ssyncadd.s32 $0xFFFFD000  }
0x13: {  	[tilespmem:s12], [sflag:$0x2] =	stream.linear.gather [hbm4b:s7+s3], $0x3000, $0x38;
	[tilespmem:$0x1E800] =	vst v63  }
0x14: {  	_ =	swait.ge [sflag:s11], $0x3000  }
0x15: {  	[sflag:s11] =	ssyncset.done $0x0  }
0x16: {  	s18 =	simm.s32 $0x0;
	s19 =	simm.s32 $0x0;
	[sflag:s11] =	ssyncadd.s32 $0xFFFFD000  }
.LBB2_2:
0x17: {  	p0 =	sne.s32 s19, $0x1FC0  }
.Ltmp0:
0x18: {  	_ = 	snop;
	(pc) =	sbr.rel @p0 .LBB2_2-.Ltmp0, $4  }
0x19: {  	s20 =	sand.u32 $0x1E00, s19  }
0x1a: {  	s21 =	sand.u32 $0x70, s18;
	s20 =	sshrl.u32 s20, $0x2  }
0x1b: {  	s20 =	sor.u32 s21, s20  }
0x1c: {  	s18 =	sadd.s32 $0x10, s18;
	s19 =	sadd.s32 $0x40, s19;
	[tilespmem:s20+$0xA000] =	vst v0  }
0x1d: {  	s18 =	sadd.s32 $0x0, s8  }
0x1e: {  	[spmem:s18] =	stream.linear.scatter [tilespmem:s13], [sflag:$0x2], $0x800, $0x38;
	[tilespmem:$0x1E800] =	vst v63  }
0x1f: {  	s18 =	simm.s32 $0x2000;
	_ =	swait.ge [sflag:s11], $0x800  }
.LBB2_4:
0x20: {  	s19 =	sshra.s32 s18, $0x2;
	[sflag:s11] =	ssyncset.done $0x0;
	p0 =	sne.s32 s18, $0x4E000  }
.Ltmp1:
0x21: {  	s19 =	sadd.s32 s19, s8;
	[sflag:s11] =	ssyncadd.s32 $0xFFFFF800;
	(pc) =	sbr.rel @p0 .LBB2_4-.Ltmp1, $3  }
0x22: {  	[spmem:s19] =	stream.linear.scatter [tilespmem:s13], [sflag:$0x2], $0x800, $0x38;
	[tilespmem:$0x1E800] =	vst v63  }
0x23: {  	s18 =	sadd.s32 $0x2000, s18;
	_ =	sdelay $0x1  }
0x24: {  	_ =	swait.ge [sflag:s11], $0x800  }
0x25: {  	[sflag:s11] =	ssyncset.done $0x0  }
0x26: {  	[sflag:s11] =	ssyncadd.s32 $0xFFFFF800  }
0x27: {  	s18 =	simm.s32 $0x0;
	[bflag:$0x0] =	sbarrier.arrive $0xFFFF  }
0x28: {  	[tilespmem:s15], [sflag:$0x1] =	stream.indirect.gather [hbm4b:s4+s14], $0x80, s18, s14, $0xb8;
	[tilespmem:$0x1E800] =	vst v63  }
0x29: {  	p0 =	sne.s32 s6, $0x1;
	_ =	swait.ge [sflag:s16], $0x4000  }
.Ltmp2:
0x2a: {  	[sflag:s16] =	ssyncset.done $0x0;
	(pc) =	sbr.rel @!p0 .LBB2_7-.Ltmp2, $4  }
0x2b: {  	s19 =	simm.s32 $0x3000;
	[sflag:s16] =	ssyncadd.s32 $0xFFFFC000  }
0x2c: {  	[spmem:s2] =	stream.indirect.scatter.add.f32 [tilespmem:s15], [sflag:$0x2], $0x80, s19, s14, $0xb8;
	[tilespmem:$0x1E800] =	vst v63  }
0x2d: {  	_ =	swait.ge [sflag:s11], $0x4000  }
0x2e: {  	s20 =	sadd.s32 $0xFFFFFFFF, s6;
	[sflag:s11] =	ssyncset.done $0x0  }
.LBB2_6:
0x2f: {  	[sflag:s11] =	ssyncadd.s32 $0xFFFFC000;
	s18 =	sadd.s32 $0x80, s18;
	s19 =	sadd.s32 $0x80, s19  }
0x30: {  	[tilespmem:s15], [sflag:$0x1] =	stream.indirect.gather [hbm4b:s4+s14], $0x80, s18, s14, $0xb8;
	[tilespmem:$0x1E800] =	vst v63  }
0x31: {  	p0 =	sne.s32 s20, $0x1;
	s20 =	sadd.s32 $0xFFFFFFFF, s20;
	_ =	swait.ge [sflag:s16], $0x4000  }
.Ltmp3:
0x32: {  	[sflag:s16] =	ssyncset.done $0x0;
	(pc) =	sbr.rel @p0 .LBB2_6-.Ltmp3, $4  }
0x33: {  	[sflag:s16] =	ssyncadd.s32 $0xFFFFC000  }
0x34: {  	[spmem:s2] =	stream.indirect.scatter.add.f32 [tilespmem:s15], [sflag:$0x2], $0x80, s19, s14, $0xb8;
	[tilespmem:$0x1E800] =	vst v63  }
0x35: {  	_ =	swait.ge [sflag:s11], $0x4000  }
0x36: {  	[sflag:s11] =	ssyncset.done $0x0  }
.LBB2_7:
0x37: {  	[sflag:s11] =	ssyncadd.s32 $0xFFFFC000;
	s17 =	sadd.s32 $0x1, s17  }
0x38: {  	s18 =	sshll.u32 s0, $0x6;
	s19 =	sshrl.u32 s8, $0x3;
	p0 =	sne.s32 s17, s10  }
.Ltmp4:
0x39: {  	[bflag:$0x0] =	sbarrier.arrive $0xFFFF;
	s18 =	sor.u32 $0x1C02, s18;
	(pc) =	sbr.rel @p0 .LBB2_1-.Ltmp4, $4  }
0x3a: {  	[hbm:s9], [sflag:s18] =	dma.local [spmem:s19], $0x2800  }
0x3b: {  	_ =	swait.ge [sflag:s11], $0x2800  }
0x3c: {  	[sflag:s11] =	ssyncset.done $0x0  }
0x3d: {  	[sflag:s11] =	ssyncadd.s32 $0xFFFFD800  }
0x3e: {  	_ =	sfence.sel $0x180000  }
0x3f: {  	[bflag:$0x0] =	sbarrier.arrive $0xFFFF  }
0x40: {  	p0 =	sne.s32 s0, $0x0;
	_ =	strace $0x9000004A  }
0x41: {  	s0 =	sadd.s32 @!p0 $0x100000, s1;
	[bflag:$0x2] =	sbarrier.arrive $0xFFFF  }
0x42: {  	[sflag:s0] =	ssyncadd.tile.s32 @!p0 $0x1;
	_ =	shalt  }
.Lfunc_end2:
_tile_overlayer_lowered:
.L_overlay_start_2:
0x43: {  	(tag) =	ssettag $0x2  }
0x44: {  	s0 =	rddreg [dreg:$0x0];
	s2 =	stileid.u32  }
0x45: {  	s1 =	rddreg [dreg:$0x1];
	p0 =	sne.s32 s2, $0x0  }
0x46: {  	s3 =	rddreg [dreg:$0x2];
	[bflag:$0x3] =	sbarrier.arrive $0xFFFF;
	s2 =	simm.s32 @!p0 $0x1C02  }
0x47: {  	[timem:s3], [sflag:s2] =	dma.local @!p0 [hbm:s0], s1  }
0x48: {  	s0 =	simm.s32 @!p0 $0x2  }
0x49: {  	_ =	swait.ge @!p0 [sflag:s0], s1  }
0x4a: {  	s1 =	ssub.s32 @!p0 $0x0, s1;
	[sflag:s0] =	ssyncset.done @!p0 $0x0  }
0x4b: {  	[sflag:s0] =	ssyncadd.s32 @!p0 s1  }
0x4c: {  	[bflag:$0x3] =	sbarrier.arrive $0xFFFF  }
0x4d: {  	_ =	shalt  }

// kernel: kernel.16.cloned.1.call-start
scs
__scs_entry_jumppad:
0x0: {  	(pc) =	sbr.rel $0x88, $3  }
0x1: {  	(tag) =	ssettag $0x0;
	lr =	simm.s32 $0x1  }
0x2: {  	[smem:$0x3F96] =	sst lr;
	_ =	strace $0xD0000000  }
0x3: {  	_ = 	snop  }
0x4: {  	_ = 	snop  }
0x5: {  	_ = 	snop  }
0x6: {  	_ = 	snop  }
0x7: {  	_ = 	snop  }
__scs_overlays_trampoline_lowered:
0x8: {  	[smem:$0x3FA5] =	sst s0  }
0x9: {  	[smem:$0x3FA6] =	sst s1  }
0xa: {  	[smem:$0x3FA7] =	sst s2  }
0xb: {  	[smem:$0x3FA8] =	sst s3  }
0xc: {  	[smem:$0x3FA9] =	sst s4  }
0xd: {  	[smem:$0x3FAA] =	sst s5  }
0xe: {  	[smem:$0x3FAB] =	sst s6  }
0xf: {  	[smem:$0x3FAC] =	sst s7  }
0x10: {  	[smem:$0x3FAD] =	sst s8  }
0x11: {  	[smem:$0x3FAE] =	sst s9;
	s0 =	simm.s32 @!p0 $0x0  }
0x12: {  	s1 =	sld [smem:$0x3F94];
	s0 =	simm.s32 @p0 $0x1  }
0x13: {  	[smem:$0x3FAF] =	sst s0;
	s0 =	simm.s32 @!p1 $0x0  }
0x14: {  	s2 =	sld [smem:$0x3F93];
	s0 =	simm.s32 @p1 $0x1  }
0x15: {  	[smem:$0x3FB0] =	sst s0;
	s0 =	simm.s32 @!p2 $0x0  }
0x16: {  	s3 =	sld [smem:$0x3FDB];
	s0 =	simm.s32 @p2 $0x1  }
0x17: {  	s4 =	simm.s32 $0x1BF5;
	[smem:$0x3FB2] =	sst s0  }
0x18: {  	s0 =	sld [smem:$0x3F95];
	_ =	swait.ge [sflag:s4], $0x0  }
0x19: {  	s7 =	sld [smem:$0x3F96]  }
0x1a: {  	s8 =	sadd.s32 $0xFFFFE003, lr  }
0x1b: {  	s9 =	sadd.s32 $0xFFFFFEF7, lr;
	s5 =	simm.s32 $0xFFFFFFFF;
	p2 =	slt.u32 s8, $0xFFFFF086  }
0x1c: {  	p1 =	slt.u32 s9, $0xF7A;
	s5 =	simm.s32 @!p2 $0x0  }
0x1d: {  	s5 =	simm.s32 @p1 $0x1;
	p0 =	seq.s32 s7, s2  }
0x1e: {  	s7 =	smul.u32 @!p0 $0xF7A, s2;
	p2 =	seq.s32 @!p0 s5, $0x0  }
0x1f: {  	s9 =	smul.u32 $0xF7A, s1;
	s8 =	simm.s32 @!p0 $0x1BF5;
	p2 =	por !p2, p0  }
0x20: {  	[sflag:s8] =	ssyncset.s32 @!p0 $0xFFFFF086;
	s6 =	sadd.s32 @!p0 s3, s7;
	s7 =	simm.s32 @!p0 $0x108  }
0x21: {  	s3 =	sadd.s32 s3, s9;
	s6 =	sadd.s32 @!p0 $0x88, s6;
	s7 =	simm.s32 @p2 $0x1082  }
0x22: {  	[simem:s7], [sflag:s8] =	dma.local @!p0 [hbm:s6], $0xF7A  }
0x23: {  	s9 =	sor.u32 $0xD0000000, s2;
	s6 =	simm.s32 $0x108;
	_ =	swait.ge @!p0 [sflag:s8], $0x0  }
0x24: {  	s3 =	sadd.s32 $0x88, s3;
	s6 =	simm.s32 @!p1 $0x1082;
	[sflag:s4] =	ssyncset.s32 $0xFFFFF086  }
0x25: {  	[simem:s6], [sflag:s4] =	dma.local [hbm:s3], $0xF7A  }
0x26: {  	[smem:$0x3F96] =	sst s1;
	(tag) =	ssettag s2;
	_ =	strace s9  }
0x27: {  	s1 =	sld [smem:$0x3FA6]  }
0x28: {  	s2 =	sld [smem:$0x3FA7]  }
0x29: {  	s4 =	sld [smem:$0x3FA9]  }
0x2a: {  	p0 =	seq.s32 s5, $0x0;
	s5 =	sld [smem:$0x3FAA]  }
0x2b: {  	s6 =	sld [smem:$0x3FAB]  }
0x2c: {  	s7 =	sld [smem:$0x3FAC]  }
0x2d: {  	s3 =	simm.s32 $0x108;
	s8 =	sld [smem:$0x3FAD]  }
0x2e: {  	s3 =	simm.s32 @!p0 $0x1082;
	s9 =	sld [smem:$0x3FAE]  }
0x2f: {  	lr =	sadd.s32 s0, s3;
	s0 =	sld [smem:$0x3FA5]  }
0x30: {  	s3 =	sld [smem:$0x3FA8]  }
0x31: {  	[smem:$0x3FB1] =	sst s10  }
0x32: {  	s10 =	sld [smem:$0x3FAF];
	_ =	sdelay $0x3  }
0x33: {  	p0 =	seq.s32 s10, $0x1;
	s10 =	sld [smem:$0x3FB1];
	_ =	sdelay $0x3  }
0x34: {  	[smem:$0x3FB1] =	sst s10  }
0x35: {  	s10 =	sld [smem:$0x3FB0];
	_ =	sdelay $0x3  }
0x36: {  	p1 =	seq.s32 s10, $0x1;
	s10 =	sld [smem:$0x3FB1];
	_ =	sdelay $0x3  }
0x37: {  	[smem:$0x3FB1] =	sst s10  }
0x38: {  	s10 =	sld [smem:$0x3FB2]  }
0x39: {  	_ = 	snop;
	(pc) =	sbr.ind lr, $3  }
0x3a: {  	_ = 	snop  }
0x3b: {  	_ = 	snop  }
0x3c: {  	p2 =	seq.s32 s10, $0x1;
	s10 =	sld [smem:$0x3FB1]  }
0x3d: {  	_ =	shalt  }
0x3e: {  	_ =	shalt  }
0x3f: {  	_ =	shalt  }
0x40: {  	_ =	shalt  }
0x41: {  	_ =	shalt  }
0x42: {  	_ =	shalt  }
0x43: {  	_ =	shalt  }
0x44: {  	_ =	shalt  }
0x45: {  	_ =	shalt  }
0x46: {  	_ =	shalt  }
0x47: {  	_ =	shalt  }
0x48: {  	_ =	shalt  }
0x49: {  	_ =	shalt  }
0x4a: {  	_ =	shalt  }
0x4b: {  	_ =	shalt  }
0x4c: {  	_ =	shalt  }
0x4d: {  	_ =	shalt  }
0x4e: {  	_ =	shalt  }
0x4f: {  	_ =	shalt  }
0x50: {  	_ =	shalt  }
0x51: {  	_ =	shalt  }
0x52: {  	_ =	shalt  }
0x53: {  	_ =	shalt  }
0x54: {  	_ =	shalt  }
0x55: {  	_ =	shalt  }
0x56: {  	_ =	shalt  }
0x57: {  	_ =	shalt  }
0x58: {  	_ =	shalt  }
0x59: {  	_ =	shalt  }
0x5a: {  	_ =	shalt  }
0x5b: {  	_ =	shalt  }
0x5c: {  	_ =	shalt  }
0x5d: {  	_ =	shalt  }
0x5e: {  	_ =	shalt  }
0x5f: {  	_ =	shalt  }
0x60: {  	_ =	shalt  }
0x61: {  	_ =	shalt  }
0x62: {  	_ =	shalt  }
0x63: {  	_ =	shalt  }
0x64: {  	_ =	shalt  }
0x65: {  	_ =	shalt  }
0x66: {  	_ =	shalt  }
0x67: {  	_ =	shalt  }
0x68: {  	_ =	shalt  }
0x69: {  	_ =	shalt  }
0x6a: {  	_ =	shalt  }
0x6b: {  	_ =	shalt  }
0x6c: {  	_ =	shalt  }
0x6d: {  	_ =	shalt  }
0x6e: {  	_ =	shalt  }
0x6f: {  	_ =	shalt  }
0x70: {  	_ =	shalt  }
0x71: {  	_ =	shalt  }
0x72: {  	_ =	shalt  }
0x73: {  	_ =	shalt  }
0x74: {  	_ =	shalt  }
0x75: {  	_ =	shalt  }
0x76: {  	_ =	shalt  }
0x77: {  	_ =	shalt  }
0x78: {  	_ =	shalt  }
0x79: {  	_ =	shalt  }
0x7a: {  	_ =	shalt  }
0x7b: {  	_ =	shalt  }
0x7c: {  	_ =	shalt  }
0x7d: {  	_ =	shalt  }
0x7e: {  	_ =	shalt  }
0x7f: {  	_ =	shalt  }
0x80: {  	_ =	shalt  }
0x81: {  	_ =	shalt  }
0x82: {  	_ =	shalt  }
0x83: {  	_ =	shalt  }
0x84: {  	_ =	shalt  }
0x85: {  	_ =	shalt  }
0x86: {  	_ =	shalt  }
0x87: {  	_ =	shalt  }
.Lfunc_end0:
.L_simem_size_0:
called_computation.2_lowered:
.L_overlay_start_0:
0x88: {  	s2 =	sld [smem:$0x3FD9]  }
0x89: {  	s3 =	sld [smem:$0x3FFE];
	_ =	sdelay $0x1  }
0x8a: {  	s1 =	srdreg.scid  }
0x8b: {  	s0 =	sand.u32 $0x1, s1  }
0x8c: {  	s16 =	sshll.u32 s0, $0xA;
	s2 =	sadd.s32 s3, s2  }
0x8d: {  	s2 =	sadd.s32 s2, s16  }
0x8e: {  	[smem:$0x3FBD] =	sst s2  }
0x8f: {  	_ = 	snop  }
0x90: {  	(tm) =	ssettm $0x1  }
0x91: {  	s17 =	sld [smem:$0x3FFB];
	_ =	sdelay $0x3  }
0x92: {  	_ =	strace s17  }
0x93: {  	s2 =	sld [smem:$0x3FFC];
	_ =	sdelay $0x3  }
0x94: {  	_ =	strace s2  }
0x95: {  	s2 =	sld [smem:$0x3FFD];
	_ =	sdelay $0x3  }
0x96: {  	_ =	strace s2  }
0x97: {  	_ =	strace $0x8FFFFFFF  }
0x98: {  	s18 =	sld [smem:$0x3FDB];
	_ =	sdelay $0x1  }
0x99: {  	s19 =	simm.s32 $_scs_section_size  }
0x9a: {  	s4 =	simm.s32 $_size__tile_overlayer_lowered;
	s5 =	simm.s32 $_tile_overlayer_lowered  }
0x9b: {  	s22 =	simm.s32 $0x1BFF;
	s21 =	sshll.u32 s5, $0x1;
	s2 =	sadd.s32 s19, s18  }
0x9c: {  	s6 =	simm.s32 $0x0;
	s20 =	sshll.u32 s4, $0x1;
	s4 =	sadd.s32 s21, s2  }
0x9d: {  	[timem:s6], [sflag:s22] =	dma.local [hbm:s4], s20  }
0x9e: {  	_ =	swait.ge [sflag:s22], s20  }
0x9f: {  	s3 =	ssub.s32 $0x0, s20;
	[sflag:s22] =	ssyncset.done $0x0  }
0xa0: {  	[sflag:s22] =	ssyncadd.s32 s3;
	_ =	sdelay $0x1  }
0xa1: {  	s23 =	simm.s32 $0x1B8B  }
0xa2: {  	_ =	swait.ge [sflag:s23], $0x1  }
0xa3: {  	[sflag:s23] =	ssyncset.done $0x0  }
0xa4: {  	s25 =	simm.s32 $0x1B8E;
	s24 =	sld [smem:$0x3FFE];
	[sflag:s23] =	ssyncadd.s32 $0xFFFFFFFF  }
0xa5: {  	s26 =	simm.s32 $execute0_lowered;
	[smem:$0x3FD2] =	sst s25  }
0xa6: {  	s4 =	sshll.u32 s26, $0x1;
	_ =	strace $0x8000004C;
	[dreg:$0x1] =	wrdreg $0xFFFFFFFF  }
0xa7: {  	s28 =	simm.s32 $_size_execute0_lowered;
	s2 =	sadd.s32 s2, s4;
	[dreg:$0x0] =	wrdreg $0x0  }
0xa8: {  	s4 =	sshll.u32 s28, $0x1;
	[dreg:$0x2] =	wrdreg s2  }
0xa9: {  	[dreg:$0x3] =	wrdreg s4  }
0xaa: {  	[dreg:$0x4] =	wrdreg $0xC0  }
0xab: {  	_ =	task [dreg:s6], $0x5FFFF  }
0xac: {  	[dreg:$0x1] =	wrdreg $0xFFFFFFFF  }
0xad: {  	[dreg:$0x0] =	wrdreg $0x60  }
0xae: {  	[dreg:$0x2] =	wrdreg s24  }
0xaf: {  	[dreg:$0x3] =	wrdreg $0xA8000  }
0xb0: {  	[dreg:$0x4] =	wrdreg $0x9  }
0xb1: {  	_ =	task.clear_ibuf [dreg:s6], $0x5FFFF;
	_ =	strace $0x9000004C  }
0xb2: {  	s29 =	simm.s32 $0x9;
	_ =	strace $0x8000004E  }
0xb3: {  	_ =	swait.ge [sflag:s29], $0x1  }
0xb4: {  	[sflag:s29] =	ssyncadd.s32 $0xFFFFFFFF  }
0xb5: {  	_ =	strace $0x9000004E  }
0xb6: {  	_ =	sfence  }
0xb7: {  	s30 =	sld [smem:$0x0];
	_ =	sdelay $0x2  }
0xb8: {  	s31 =	sshll.u32 s1, $0xD;
	s1 =	sshrl.u32 s1, $0x2  }
0xb9: {  	s3 =	sand.u32 $0x4000, s31;
	s1 =	sadd.s32 s1, s30  }
0xba: {  	s0 =	sor.u32 s3, s0;
	s1 =	sshll.u32 s1, $0x11  }
0xbb: {  	s0 =	sor.u32 s1, s0  }
0xbc: {  	s0 =	sadd.s32 $0x8F2B, s0  }
0xbd: {  	[sflag:s0] =	ssyncadd.remote.s32 $0x1  }
0xbe: {  	_ =	sfence.sel $0xFFFF  }
0xbf: {  	[dreg:$0x0] =	wrdreg $0xFFFFFFFF;
	(pc) =	sbr.abs _section_cstart, $3  }
0xc0: {  	[dreg:$0x1] =	wrdreg $0xFFFFFFFF  }
0xc1: {  	_ =	task.clear_ibuf [dreg:s6], $0x2FFFF;
	_ =	strace $0x9FFFFFFF  }
0xc2: {  	(tm) =	ssettm $0x7FFFFFFF  }
0xc3: {  	_ =	shalt  }
tec
execute0_lowered:
.L_overlay_start_1:
0x0: {  	(tag) =	ssettag $0x1  }
0x1: {  	s1 =	srdreg.scid  }
0x2: {  	s0 =	stileid.u32;
	s5 =	rddreg [dreg:$0x0]  }
0x3: {  	s2 =	rddreg [dreg:$0x1];
	s3 =	simm.s32 $0x0;
	s13 =	simm.s32 $0xA000  }
0x4: {  	s14 =	simm.s32 $0x80;
	s15 =	simm.s32 $0x6000;
	s16 =	simm.s32 $0x1  }
0x5: {  	s17 =	simm.s32 $0x0;
	s6 =	sand.u32 $0x1, s1;
	s9 =	smul.u32 $0x14000, s0  }
0x6: {  	s29 =	sshll.u32 s0, $0x1;
	[smem:$0x7FF] =	sst s3;
	s11 =	smul.u32 $0x50000, s0  }
0x7: {  	s4 =	sadd.s32 $0x29000, s5;
	s1 =	sor.u32 s6, s29;
	s8 =	smul.u32 $0x140000, s6  }
0x8: {  	s30 =	ssub.s32 $0x2, s6;
	p0 =	seq.s32 s6, $0x0;
	s6 =	simm.s32 $0x60  }
0x9: {  	s7 =	smul.u32 $0x600, s1;
	s1 =	rddreg [dreg:$0x2];
	_ =	strace $0x8000004D  }
0xa: {  	s10 =	sshrl.u32 s30, $0x1;
	s31 =	sshrl.u32 s11, $0x2;
	s6 =	simm.s32 @!p0 $0x42  }
0xb: {  	s11 =	simm.s32 $0x2;
	s8 =	sadd.s32 s9, s8;
	s10 =	ssub.s32 s30, s10  }
0xc: {  	s7 =	sadd.s32 s7, s5;
	s8 =	sshrl.u32 s8, $0x3;
	s10 =	smax.u32 s10, $0x1  }
0xd: {  	s12 =	sadd.s32 s8, s5;
	s5 =	sadd.s32 $0x1D000, s7;
	s7 =	sadd.s32 $0x11000, s7  }
0xe: {  	v0 =	vimm.f32 $0.0e+00;
	s8 =	sadd.s32 s31, s2;
	s9 =	sadd.s32 $0x51000, s12;
	s12 =	simm.s32 $0x3000  }
.LBB2_1:
0xf: {  	[tilespmem:s3], [sflag:$0x2] =	stream.linear.gather [hbm4b:s5+s3], $0x3000, $0x38;
	[tilespmem:$0x1E800] =	vst v63  }
0x10: {  	_ =	swait.ge [sflag:s11], $0x3000  }
0x11: {  	[sflag:s11] =	ssyncset.done $0x0  }
0x12: {  	[sflag:s11] =	ssyncadd.s32 $0xFFFFD000  }
0x13: {  	[tilespmem:s12], [sflag:$0x2] =	stream.linear.gather [hbm4b:s7+s3], $0x3000, $0x38;
	[tilespmem:$0x1E800] =	vst v63  }
0x14: {  	_ =	swait.ge [sflag:s11], $0x3000  }
0x15: {  	[sflag:s11] =	ssyncset.done $0x0  }
0x16: {  	s18 =	simm.s32 $0x0;
	s19 =	simm.s32 $0x0;
	[sflag:s11] =	ssyncadd.s32 $0xFFFFD000  }
.LBB2_2:
0x17: {  	p0 =	sne.s32 s19, $0x1FC0  }
.Ltmp0:
0x18: {  	_ = 	snop;
	(pc) =	sbr.rel @p0 .LBB2_2-.Ltmp0, $4  }
0x19: {  	s20 =	sand.u32 $0x1E00, s19  }
0x1a: {  	s21 =	sand.u32 $0x70, s18;
	s20 =	sshrl.u32 s20, $0x2  }
0x1b: {  	s20 =	sor.u32 s21, s20  }
0x1c: {  	s18 =	sadd.s32 $0x10, s18;
	s19 =	sadd.s32 $0x40, s19;
	[tilespmem:s20+$0xA000] =	vst v0  }
0x1d: {  	s18 =	sadd.s32 $0x0, s8  }
0x1e: {  	[spmem:s18] =	stream.linear.scatter [tilespmem:s13], [sflag:$0x2], $0x800, $0x38;
	[tilespmem:$0x1E800] =	vst v63  }
0x1f: {  	s18 =	simm.s32 $0x2000;
	_ =	swait.ge [sflag:s11], $0x800  }
.LBB2_4:
0x20: {  	s19 =	sshra.s32 s18, $0x2;
	[sflag:s11] =	ssyncset.done $0x0;
	p0 =	sne.s32 s18, $0x4E000  }
.Ltmp1:
0x21: {  	s19 =	sadd.s32 s19, s8;
	[sflag:s11] =	ssyncadd.s32 $0xFFFFF800;
	(pc) =	sbr.rel @p0 .LBB2_4-.Ltmp1, $3  }
0x22: {  	[spmem:s19] =	stream.linear.scatter [tilespmem:s13], [sflag:$0x2], $0x800, $0x38;
	[tilespmem:$0x1E800] =	vst v63  }
0x23: {  	s18 =	sadd.s32 $0x2000, s18;
	_ =	sdelay $0x1  }
0x24: {  	_ =	swait.ge [sflag:s11], $0x800  }
0x25: {  	[sflag:s11] =	ssyncset.done $0x0  }
0x26: {  	[sflag:s11] =	ssyncadd.s32 $0xFFFFF800  }
0x27: {  	s18 =	simm.s32 $0x0;
	[bflag:$0x0] =	sbarrier.arrive $0xFFFF  }
0x28: {  	[tilespmem:s15], [sflag:$0x1] =	stream.indirect.gather [hbm4b:s4+s14], $0x80, s18, s14, $0xb8;
	[tilespmem:$0x1E800] =	vst v63  }
0x29: {  	p0 =	sne.s32 s6, $0x1;
	_ =	swait.ge [sflag:s16], $0x4000  }
.Ltmp2:
0x2a: {  	[sflag:s16] =	ssyncset.done $0x0;
	(pc) =	sbr.rel @!p0 .LBB2_7-.Ltmp2, $4  }
0x2b: {  	s19 =	simm.s32 $0x3000;
	[sflag:s16] =	ssyncadd.s32 $0xFFFFC000  }
0x2c: {  	[spmem:s2] =	stream.indirect.scatter.add.f32 [tilespmem:s15], [sflag:$0x2], $0x80, s19, s14, $0xb8;
	[tilespmem:$0x1E800] =	vst v63  }
0x2d: {  	_ =	swait.ge [sflag:s11], $0x4000  }
0x2e: {  	s20 =	sadd.s32 $0xFFFFFFFF, s6;
	[sflag:s11] =	ssyncset.done $0x0  }
.LBB2_6:
0x2f: {  	[sflag:s11] =	ssyncadd.s32 $0xFFFFC000;
	s18 =	sadd.s32 $0x80, s18;
	s19 =	sadd.s32 $0x80, s19  }
0x30: {  	[tilespmem:s15], [sflag:$0x1] =	stream.indirect.gather [hbm4b:s4+s14], $0x80, s18, s14, $0xb8;
	[tilespmem:$0x1E800] =	vst v63  }
0x31: {  	p0 =	sne.s32 s20, $0x1;
	s20 =	sadd.s32 $0xFFFFFFFF, s20;
	_ =	swait.ge [sflag:s16], $0x4000  }
.Ltmp3:
0x32: {  	[sflag:s16] =	ssyncset.done $0x0;
	(pc) =	sbr.rel @p0 .LBB2_6-.Ltmp3, $4  }
0x33: {  	[sflag:s16] =	ssyncadd.s32 $0xFFFFC000  }
0x34: {  	[spmem:s2] =	stream.indirect.scatter.add.f32 [tilespmem:s15], [sflag:$0x2], $0x80, s19, s14, $0xb8;
	[tilespmem:$0x1E800] =	vst v63  }
0x35: {  	_ =	swait.ge [sflag:s11], $0x4000  }
0x36: {  	[sflag:s11] =	ssyncset.done $0x0  }
.LBB2_7:
0x37: {  	[sflag:s11] =	ssyncadd.s32 $0xFFFFC000;
	s17 =	sadd.s32 $0x1, s17  }
0x38: {  	s18 =	sshll.u32 s0, $0x6;
	s19 =	sshrl.u32 s8, $0x3;
	p0 =	sne.s32 s17, s10  }
.Ltmp4:
0x39: {  	[bflag:$0x0] =	sbarrier.arrive $0xFFFF;
	s18 =	sor.u32 $0x1C02, s18;
	(pc) =	sbr.rel @p0 .LBB2_1-.Ltmp4, $4  }
0x3a: {  	[hbm:s9], [sflag:s18] =	dma.local [spmem:s19], $0x2800  }
0x3b: {  	_ =	swait.ge [sflag:s11], $0x2800  }
0x3c: {  	[sflag:s11] =	ssyncset.done $0x0  }
0x3d: {  	[sflag:s11] =	ssyncadd.s32 $0xFFFFD800  }
0x3e: {  	_ =	sfence.sel $0x180000  }
0x3f: {  	[bflag:$0x0] =	sbarrier.arrive $0xFFFF  }
0x40: {  	p0 =	sne.s32 s0, $0x0;
	_ =	strace $0x9000004D  }
0x41: {  	s0 =	sadd.s32 @!p0 $0x100000, s1;
	[bflag:$0x2] =	sbarrier.arrive $0xFFFF  }
0x42: {  	[sflag:s0] =	ssyncadd.tile.s32 @!p0 $0x1;
	_ =	shalt  }
.Lfunc_end2:
_tile_overlayer_lowered:
.L_overlay_start_2:
0x43: {  	(tag) =	ssettag $0x2  }
0x44: {  	s0 =	rddreg [dreg:$0x0];
	s2 =	stileid.u32  }
0x45: {  	s1 =	rddreg [dreg:$0x1];
	p0 =	sne.s32 s2, $0x0  }
0x46: {  	s3 =	rddreg [dreg:$0x2];
	[bflag:$0x3] =	sbarrier.arrive $0xFFFF;
	s2 =	simm.s32 @!p0 $0x1C02  }
0x47: {  	[timem:s3], [sflag:s2] =	dma.local @!p0 [hbm:s0], s1  }
0x48: {  	s0 =	simm.s32 @!p0 $0x2  }
0x49: {  	_ =	swait.ge @!p0 [sflag:s0], s1  }
0x4a: {  	s1 =	ssub.s32 @!p0 $0x0, s1;
	[sflag:s0] =	ssyncset.done @!p0 $0x0  }
0x4b: {  	[sflag:s0] =	ssyncadd.s32 @!p0 s1  }
0x4c: {  	[bflag:$0x3] =	sbarrier.arrive $0xFFFF  }
0x4d: {  	_ =	shalt  }

// kernel: kernel.19.cloned.1.call-start
scs
__scs_entry_jumppad:
0x0: {  	(pc) =	sbr.rel $0x88, $3  }
0x1: {  	(tag) =	ssettag $0x0;
	lr =	simm.s32 $0x1  }
0x2: {  	[smem:$0x3F96] =	sst lr;
	_ =	strace $0xD0000000  }
0x3: {  	_ = 	snop  }
0x4: {  	_ = 	snop  }
0x5: {  	_ = 	snop  }
0x6: {  	_ = 	snop  }
0x7: {  	_ = 	snop  }
__scs_overlays_trampoline_lowered:
0x8: {  	[smem:$0x3FA5] =	sst s0  }
0x9: {  	[smem:$0x3FA6] =	sst s1  }
0xa: {  	[smem:$0x3FA7] =	sst s2  }
0xb: {  	[smem:$0x3FA8] =	sst s3  }
0xc: {  	[smem:$0x3FA9] =	sst s4  }
0xd: {  	[smem:$0x3FAA] =	sst s5  }
0xe: {  	[smem:$0x3FAB] =	sst s6  }
0xf: {  	[smem:$0x3FAC] =	sst s7  }
0x10: {  	[smem:$0x3FAD] =	sst s8  }
0x11: {  	[smem:$0x3FAE] =	sst s9;
	s0 =	simm.s32 @!p0 $0x0  }
0x12: {  	s1 =	sld [smem:$0x3F94];
	s0 =	simm.s32 @p0 $0x1  }
0x13: {  	[smem:$0x3FAF] =	sst s0;
	s0 =	simm.s32 @!p1 $0x0  }
0x14: {  	s2 =	sld [smem:$0x3F93];
	s0 =	simm.s32 @p1 $0x1  }
0x15: {  	[smem:$0x3FB0] =	sst s0;
	s0 =	simm.s32 @!p2 $0x0  }
0x16: {  	s3 =	sld [smem:$0x3FDB];
	s0 =	simm.s32 @p2 $0x1  }
0x17: {  	s4 =	simm.s32 $0x1BF5;
	[smem:$0x3FB2] =	sst s0  }
0x18: {  	s0 =	sld [smem:$0x3F95];
	_ =	swait.ge [sflag:s4], $0x0  }
0x19: {  	s7 =	sld [smem:$0x3F96]  }
0x1a: {  	s8 =	sadd.s32 $0xFFFFE003, lr  }
0x1b: {  	s9 =	sadd.s32 $0xFFFFFEF7, lr;
	s5 =	simm.s32 $0xFFFFFFFF;
	p2 =	slt.u32 s8, $0xFFFFF086  }
0x1c: {  	p1 =	slt.u32 s9, $0xF7A;
	s5 =	simm.s32 @!p2 $0x0  }
0x1d: {  	s5 =	simm.s32 @p1 $0x1;
	p0 =	seq.s32 s7, s2  }
0x1e: {  	s7 =	smul.u32 @!p0 $0xF7A, s2;
	p2 =	seq.s32 @!p0 s5, $0x0  }
0x1f: {  	s9 =	smul.u32 $0xF7A, s1;
	s8 =	simm.s32 @!p0 $0x1BF5;
	p2 =	por !p2, p0  }
0x20: {  	[sflag:s8] =	ssyncset.s32 @!p0 $0xFFFFF086;
	s6 =	sadd.s32 @!p0 s3, s7;
	s7 =	simm.s32 @!p0 $0x108  }
0x21: {  	s3 =	sadd.s32 s3, s9;
	s6 =	sadd.s32 @!p0 $0x88, s6;
	s7 =	simm.s32 @p2 $0x1082  }
0x22: {  	[simem:s7], [sflag:s8] =	dma.local @!p0 [hbm:s6], $0xF7A  }
0x23: {  	s9 =	sor.u32 $0xD0000000, s2;
	s6 =	simm.s32 $0x108;
	_ =	swait.ge @!p0 [sflag:s8], $0x0  }
0x24: {  	s3 =	sadd.s32 $0x88, s3;
	s6 =	simm.s32 @!p1 $0x1082;
	[sflag:s4] =	ssyncset.s32 $0xFFFFF086  }
0x25: {  	[simem:s6], [sflag:s4] =	dma.local [hbm:s3], $0xF7A  }
0x26: {  	[smem:$0x3F96] =	sst s1;
	(tag) =	ssettag s2;
	_ =	strace s9  }
0x27: {  	s1 =	sld [smem:$0x3FA6]  }
0x28: {  	s2 =	sld [smem:$0x3FA7]  }
0x29: {  	s4 =	sld [smem:$0x3FA9]  }
0x2a: {  	p0 =	seq.s32 s5, $0x0;
	s5 =	sld [smem:$0x3FAA]  }
0x2b: {  	s6 =	sld [smem:$0x3FAB]  }
0x2c: {  	s7 =	sld [smem:$0x3FAC]  }
0x2d: {  	s3 =	simm.s32 $0x108;
	s8 =	sld [smem:$0x3FAD]  }
0x2e: {  	s3 =	simm.s32 @!p0 $0x1082;
	s9 =	sld [smem:$0x3FAE]  }
0x2f: {  	lr =	sadd.s32 s0, s3;
	s0 =	sld [smem:$0x3FA5]  }
0x30: {  	s3 =	sld [smem:$0x3FA8]  }
0x31: {  	[smem:$0x3FB1] =	sst s10  }
0x32: {  	s10 =	sld [smem:$0x3FAF];
	_ =	sdelay $0x3  }
0x33: {  	p0 =	seq.s32 s10, $0x1;
	s10 =	sld [smem:$0x3FB1];
	_ =	sdelay $0x3  }
0x34: {  	[smem:$0x3FB1] =	sst s10  }
0x35: {  	s10 =	sld [smem:$0x3FB0];
	_ =	sdelay $0x3  }
0x36: {  	p1 =	seq.s32 s10, $0x1;
	s10 =	sld [smem:$0x3FB1];
	_ =	sdelay $0x3  }
0x37: {  	[smem:$0x3FB1] =	sst s10  }
0x38: {  	s10 =	sld [smem:$0x3FB2]  }
0x39: {  	_ = 	snop;
	(pc) =	sbr.ind lr, $3  }
0x3a: {  	_ = 	snop  }
0x3b: {  	_ = 	snop  }
0x3c: {  	p2 =	seq.s32 s10, $0x1;
	s10 =	sld [smem:$0x3FB1]  }
0x3d: {  	_ =	shalt  }
0x3e: {  	_ =	shalt  }
0x3f: {  	_ =	shalt  }
0x40: {  	_ =	shalt  }
0x41: {  	_ =	shalt  }
0x42: {  	_ =	shalt  }
0x43: {  	_ =	shalt  }
0x44: {  	_ =	shalt  }
0x45: {  	_ =	shalt  }
0x46: {  	_ =	shalt  }
0x47: {  	_ =	shalt  }
0x48: {  	_ =	shalt  }
0x49: {  	_ =	shalt  }
0x4a: {  	_ =	shalt  }
0x4b: {  	_ =	shalt  }
0x4c: {  	_ =	shalt  }
0x4d: {  	_ =	shalt  }
0x4e: {  	_ =	shalt  }
0x4f: {  	_ =	shalt  }
0x50: {  	_ =	shalt  }
0x51: {  	_ =	shalt  }
0x52: {  	_ =	shalt  }
0x53: {  	_ =	shalt  }
0x54: {  	_ =	shalt  }
0x55: {  	_ =	shalt  }
0x56: {  	_ =	shalt  }
0x57: {  	_ =	shalt  }
0x58: {  	_ =	shalt  }
0x59: {  	_ =	shalt  }
0x5a: {  	_ =	shalt  }
0x5b: {  	_ =	shalt  }
0x5c: {  	_ =	shalt  }
0x5d: {  	_ =	shalt  }
0x5e: {  	_ =	shalt  }
0x5f: {  	_ =	shalt  }
0x60: {  	_ =	shalt  }
0x61: {  	_ =	shalt  }
0x62: {  	_ =	shalt  }
0x63: {  	_ =	shalt  }
0x64: {  	_ =	shalt  }
0x65: {  	_ =	shalt  }
0x66: {  	_ =	shalt  }
0x67: {  	_ =	shalt  }
0x68: {  	_ =	shalt  }
0x69: {  	_ =	shalt  }
0x6a: {  	_ =	shalt  }
0x6b: {  	_ =	shalt  }
0x6c: {  	_ =	shalt  }
0x6d: {  	_ =	shalt  }
0x6e: {  	_ =	shalt  }
0x6f: {  	_ =	shalt  }
0x70: {  	_ =	shalt  }
0x71: {  	_ =	shalt  }
0x72: {  	_ =	shalt  }
0x73: {  	_ =	shalt  }
0x74: {  	_ =	shalt  }
0x75: {  	_ =	shalt  }
0x76: {  	_ =	shalt  }
0x77: {  	_ =	shalt  }
0x78: {  	_ =	shalt  }
0x79: {  	_ =	shalt  }
0x7a: {  	_ =	shalt  }
0x7b: {  	_ =	shalt  }
0x7c: {  	_ =	shalt  }
0x7d: {  	_ =	shalt  }
0x7e: {  	_ =	shalt  }
0x7f: {  	_ =	shalt  }
0x80: {  	_ =	shalt  }
0x81: {  	_ =	shalt  }
0x82: {  	_ =	shalt  }
0x83: {  	_ =	shalt  }
0x84: {  	_ =	shalt  }
0x85: {  	_ =	shalt  }
0x86: {  	_ =	shalt  }
0x87: {  	_ =	shalt  }
.Lfunc_end0:
.L_simem_size_0:
called_computation.3_lowered:
.L_overlay_start_0:
0x88: {  	s2 =	sld [smem:$0x3FD9]  }
0x89: {  	s3 =	sld [smem:$0x3FFE];
	_ =	sdelay $0x1  }
0x8a: {  	s1 =	srdreg.scid  }
0x8b: {  	s0 =	sand.u32 $0x1, s1  }
0x8c: {  	s16 =	sshll.u32 s0, $0xA;
	s2 =	sadd.s32 s3, s2  }
0x8d: {  	s2 =	sadd.s32 s2, s16  }
0x8e: {  	[smem:$0x3FBD] =	sst s2  }
0x8f: {  	_ = 	snop  }
0x90: {  	(tm) =	ssettm $0x1  }
0x91: {  	s17 =	sld [smem:$0x3FFB];
	_ =	sdelay $0x3  }
0x92: {  	_ =	strace s17  }
0x93: {  	s2 =	sld [smem:$0x3FFC];
	_ =	sdelay $0x3  }
0x94: {  	_ =	strace s2  }
0x95: {  	s2 =	sld [smem:$0x3FFD];
	_ =	sdelay $0x3  }
0x96: {  	_ =	strace s2  }
0x97: {  	_ =	strace $0x8FFFFFFF  }
0x98: {  	s18 =	sld [smem:$0x3FDB];
	_ =	sdelay $0x1  }
0x99: {  	s19 =	simm.s32 $_scs_section_size  }
0x9a: {  	s4 =	simm.s32 $_size__tile_overlayer_lowered;
	s5 =	simm.s32 $_tile_overlayer_lowered  }
0x9b: {  	s22 =	simm.s32 $0x1BFF;
	s21 =	sshll.u32 s5, $0x1;
	s2 =	sadd.s32 s19, s18  }
0x9c: {  	s6 =	simm.s32 $0x0;
	s20 =	sshll.u32 s4, $0x1;
	s4 =	sadd.s32 s21, s2  }
0x9d: {  	[timem:s6], [sflag:s22] =	dma.local [hbm:s4], s20  }
0x9e: {  	_ =	swait.ge [sflag:s22], s20  }
0x9f: {  	s3 =	ssub.s32 $0x0, s20;
	[sflag:s22] =	ssyncset.done $0x0  }
0xa0: {  	[sflag:s22] =	ssyncadd.s32 s3;
	_ =	sdelay $0x1  }
0xa1: {  	s23 =	simm.s32 $0x1B8B  }
0xa2: {  	_ =	swait.ge [sflag:s23], $0x1  }
0xa3: {  	[sflag:s23] =	ssyncset.done $0x0  }
0xa4: {  	s25 =	simm.s32 $0x1B8E;
	s24 =	sld [smem:$0x3FFE];
	[sflag:s23] =	ssyncadd.s32 $0xFFFFFFFF  }
0xa5: {  	s26 =	simm.s32 $execute0_lowered;
	[smem:$0x3FD2] =	sst s25  }
0xa6: {  	s4 =	sshll.u32 s26, $0x1;
	_ =	strace $0x8000004F;
	[dreg:$0x1] =	wrdreg $0xFFFFFFFF  }
0xa7: {  	s28 =	simm.s32 $_size_execute0_lowered;
	s2 =	sadd.s32 s2, s4;
	[dreg:$0x0] =	wrdreg $0x0  }
0xa8: {  	s4 =	sshll.u32 s28, $0x1;
	[dreg:$0x2] =	wrdreg s2  }
0xa9: {  	[dreg:$0x3] =	wrdreg s4  }
0xaa: {  	[dreg:$0x4] =	wrdreg $0xC0  }
0xab: {  	_ =	task [dreg:s6], $0x5FFFF  }
0xac: {  	[dreg:$0x1] =	wrdreg $0xFFFFFFFF  }
0xad: {  	[dreg:$0x0] =	wrdreg $0x60  }
0xae: {  	[dreg:$0x2] =	wrdreg s24  }
0xaf: {  	[dreg:$0x3] =	wrdreg $0xA8000  }
0xb0: {  	[dreg:$0x4] =	wrdreg $0x9  }
0xb1: {  	_ =	task.clear_ibuf [dreg:s6], $0x5FFFF;
	_ =	strace $0x9000004F  }
0xb2: {  	s29 =	simm.s32 $0x9;
	_ =	strace $0x80000051  }
0xb3: {  	_ =	swait.ge [sflag:s29], $0x1  }
0xb4: {  	[sflag:s29] =	ssyncadd.s32 $0xFFFFFFFF  }
0xb5: {  	_ =	strace $0x90000051  }
0xb6: {  	_ =	sfence  }
0xb7: {  	s30 =	sld [smem:$0x0];
	_ =	sdelay $0x2  }
0xb8: {  	s31 =	sshll.u32 s1, $0xD;
	s1 =	sshrl.u32 s1, $0x2  }
0xb9: {  	s3 =	sand.u32 $0x4000, s31;
	s1 =	sadd.s32 s1, s30  }
0xba: {  	s0 =	sor.u32 s3, s0;
	s1 =	sshll.u32 s1, $0x11  }
0xbb: {  	s0 =	sor.u32 s1, s0  }
0xbc: {  	s0 =	sadd.s32 $0x8F2B, s0  }
0xbd: {  	[sflag:s0] =	ssyncadd.remote.s32 $0x1  }
0xbe: {  	_ =	sfence.sel $0xFFFF  }
0xbf: {  	[dreg:$0x0] =	wrdreg $0xFFFFFFFF;
	(pc) =	sbr.abs _section_cstart, $3  }
0xc0: {  	[dreg:$0x1] =	wrdreg $0xFFFFFFFF  }
0xc1: {  	_ =	task.clear_ibuf [dreg:s6], $0x2FFFF;
	_ =	strace $0x9FFFFFFF  }
0xc2: {  	(tm) =	ssettm $0x7FFFFFFF  }
0xc3: {  	_ =	shalt  }
tec
execute0_lowered:
.L_overlay_start_1:
0x0: {  	(tag) =	ssettag $0x1  }
0x1: {  	s1 =	srdreg.scid  }
0x2: {  	s0 =	stileid.u32;
	s5 =	rddreg [dreg:$0x0]  }
0x3: {  	s2 =	rddreg [dreg:$0x1];
	s3 =	simm.s32 $0x0;
	s13 =	simm.s32 $0xA000  }
0x4: {  	s14 =	simm.s32 $0x80;
	s15 =	simm.s32 $0x6000;
	s16 =	simm.s32 $0x1  }
0x5: {  	s17 =	simm.s32 $0x0;
	s6 =	sand.u32 $0x1, s1;
	s9 =	smul.u32 $0x14000, s0  }
0x6: {  	s29 =	sshll.u32 s0, $0x1;
	[smem:$0x7FF] =	sst s3;
	s11 =	smul.u32 $0x50000, s0  }
0x7: {  	s4 =	sadd.s32 $0x29000, s5;
	s1 =	sor.u32 s6, s29;
	s8 =	smul.u32 $0x140000, s6  }
0x8: {  	s30 =	ssub.s32 $0x2, s6;
	p0 =	seq.s32 s6, $0x0;
	s6 =	simm.s32 $0x60  }
0x9: {  	s7 =	smul.u32 $0x600, s1;
	s1 =	rddreg [dreg:$0x2];
	_ =	strace $0x80000050  }
0xa: {  	s10 =	sshrl.u32 s30, $0x1;
	s31 =	sshrl.u32 s11, $0x2;
	s6 =	simm.s32 @!p0 $0x42  }
0xb: {  	s11 =	simm.s32 $0x2;
	s8 =	sadd.s32 s9, s8;
	s10 =	ssub.s32 s30, s10  }
0xc: {  	s7 =	sadd.s32 s7, s5;
	s8 =	sshrl.u32 s8, $0x3;
	s10 =	smax.u32 s10, $0x1  }
0xd: {  	s12 =	sadd.s32 s8, s5;
	s5 =	sadd.s32 $0x1D000, s7;
	s7 =	sadd.s32 $0x11000, s7  }
0xe: {  	v0 =	vimm.f32 $0.0e+00;
	s8 =	sadd.s32 s31, s2;
	s9 =	sadd.s32 $0x51000, s12;
	s12 =	simm.s32 $0x3000  }
.LBB2_1:
0xf: {  	[tilespmem:s3], [sflag:$0x2] =	stream.linear.gather [hbm4b:s5+s3], $0x3000, $0x38;
	[tilespmem:$0x1E800] =	vst v63  }
0x10: {  	_ =	swait.ge [sflag:s11], $0x3000  }
0x11: {  	[sflag:s11] =	ssyncset.done $0x0  }
0x12: {  	[sflag:s11] =	ssyncadd.s32 $0xFFFFD000  }
0x13: {  	[tilespmem:s12], [sflag:$0x2] =	stream.linear.gather [hbm4b:s7+s3], $0x3000, $0x38;
	[tilespmem:$0x1E800] =	vst v63  }
0x14: {  	_ =	swait.ge [sflag:s11], $0x3000  }
0x15: {  	[sflag:s11] =	ssyncset.done $0x0  }
0x16: {  	s18 =	simm.s32 $0x0;
	s19 =	simm.s32 $0x0;
	[sflag:s11] =	ssyncadd.s32 $0xFFFFD000  }
.LBB2_2:
0x17: {  	p0 =	sne.s32 s19, $0x1FC0  }
.Ltmp0:
0x18: {  	_ = 	snop;
	(pc) =	sbr.rel @p0 .LBB2_2-.Ltmp0, $4  }
0x19: {  	s20 =	sand.u32 $0x1E00, s19  }
0x1a: {  	s21 =	sand.u32 $0x70, s18;
	s20 =	sshrl.u32 s20, $0x2  }
0x1b: {  	s20 =	sor.u32 s21, s20  }
0x1c: {  	s18 =	sadd.s32 $0x10, s18;
	s19 =	sadd.s32 $0x40, s19;
	[tilespmem:s20+$0xA000] =	vst v0  }
0x1d: {  	s18 =	sadd.s32 $0x0, s8  }
0x1e: {  	[spmem:s18] =	stream.linear.scatter [tilespmem:s13], [sflag:$0x2], $0x800, $0x38;
	[tilespmem:$0x1E800] =	vst v63  }
0x1f: {  	s18 =	simm.s32 $0x2000;
	_ =	swait.ge [sflag:s11], $0x800  }
.LBB2_4:
0x20: {  	s19 =	sshra.s32 s18, $0x2;
	[sflag:s11] =	ssyncset.done $0x0;
	p0 =	sne.s32 s18, $0x4E000  }
.Ltmp1:
0x21: {  	s19 =	sadd.s32 s19, s8;
	[sflag:s11] =	ssyncadd.s32 $0xFFFFF800;
	(pc) =	sbr.rel @p0 .LBB2_4-.Ltmp1, $3  }
0x22: {  	[spmem:s19] =	stream.linear.scatter [tilespmem:s13], [sflag:$0x2], $0x800, $0x38;
	[tilespmem:$0x1E800] =	vst v63  }
0x23: {  	s18 =	sadd.s32 $0x2000, s18;
	_ =	sdelay $0x1  }
0x24: {  	_ =	swait.ge [sflag:s11], $0x800  }
0x25: {  	[sflag:s11] =	ssyncset.done $0x0  }
0x26: {  	[sflag:s11] =	ssyncadd.s32 $0xFFFFF800  }
0x27: {  	s18 =	simm.s32 $0x0;
	[bflag:$0x0] =	sbarrier.arrive $0xFFFF  }
0x28: {  	[tilespmem:s15], [sflag:$0x1] =	stream.indirect.gather [hbm4b:s4+s14], $0x80, s18, s14, $0xb8;
	[tilespmem:$0x1E800] =	vst v63  }
0x29: {  	p0 =	sne.s32 s6, $0x1;
	_ =	swait.ge [sflag:s16], $0x4000  }
.Ltmp2:
0x2a: {  	[sflag:s16] =	ssyncset.done $0x0;
	(pc) =	sbr.rel @!p0 .LBB2_7-.Ltmp2, $4  }
0x2b: {  	s19 =	simm.s32 $0x3000;
	[sflag:s16] =	ssyncadd.s32 $0xFFFFC000  }
0x2c: {  	[spmem:s2] =	stream.indirect.scatter.add.f32 [tilespmem:s15], [sflag:$0x2], $0x80, s19, s14, $0xb8;
	[tilespmem:$0x1E800] =	vst v63  }
0x2d: {  	_ =	swait.ge [sflag:s11], $0x4000  }
0x2e: {  	s20 =	sadd.s32 $0xFFFFFFFF, s6;
	[sflag:s11] =	ssyncset.done $0x0  }
.LBB2_6:
0x2f: {  	[sflag:s11] =	ssyncadd.s32 $0xFFFFC000;
	s18 =	sadd.s32 $0x80, s18;
	s19 =	sadd.s32 $0x80, s19  }
0x30: {  	[tilespmem:s15], [sflag:$0x1] =	stream.indirect.gather [hbm4b:s4+s14], $0x80, s18, s14, $0xb8;
	[tilespmem:$0x1E800] =	vst v63  }
0x31: {  	p0 =	sne.s32 s20, $0x1;
	s20 =	sadd.s32 $0xFFFFFFFF, s20;
	_ =	swait.ge [sflag:s16], $0x4000  }
.Ltmp3:
0x32: {  	[sflag:s16] =	ssyncset.done $0x0;
	(pc) =	sbr.rel @p0 .LBB2_6-.Ltmp3, $4  }
0x33: {  	[sflag:s16] =	ssyncadd.s32 $0xFFFFC000  }
0x34: {  	[spmem:s2] =	stream.indirect.scatter.add.f32 [tilespmem:s15], [sflag:$0x2], $0x80, s19, s14, $0xb8;
	[tilespmem:$0x1E800] =	vst v63  }
0x35: {  	_ =	swait.ge [sflag:s11], $0x4000  }
0x36: {  	[sflag:s11] =	ssyncset.done $0x0  }
.LBB2_7:
0x37: {  	[sflag:s11] =	ssyncadd.s32 $0xFFFFC000;
	s17 =	sadd.s32 $0x1, s17  }
0x38: {  	s18 =	sshll.u32 s0, $0x6;
	s19 =	sshrl.u32 s8, $0x3;
	p0 =	sne.s32 s17, s10  }
.Ltmp4:
0x39: {  	[bflag:$0x0] =	sbarrier.arrive $0xFFFF;
	s18 =	sor.u32 $0x1C02, s18;
	(pc) =	sbr.rel @p0 .LBB2_1-.Ltmp4, $4  }
0x3a: {  	[hbm:s9], [sflag:s18] =	dma.local [spmem:s19], $0x2800  }
0x3b: {  	_ =	swait.ge [sflag:s11], $0x2800  }
0x3c: {  	[sflag:s11] =	ssyncset.done $0x0  }
0x3d: {  	[sflag:s11] =	ssyncadd.s32 $0xFFFFD800  }
0x3e: {  	_ =	sfence.sel $0x180000  }
0x3f: {  	[bflag:$0x0] =	sbarrier.arrive $0xFFFF  }
0x40: {  	p0 =	sne.s32 s0, $0x0;
	_ =	strace $0x90000050  }
0x41: {  	s0 =	sadd.s32 @!p0 $0x100000, s1;
	[bflag:$0x2] =	sbarrier.arrive $0xFFFF  }
0x42: {  	[sflag:s0] =	ssyncadd.tile.s32 @!p0 $0x1;
	_ =	shalt  }
.Lfunc_end2:
_tile_overlayer_lowered:
.L_overlay_start_2:
0x43: {  	(tag) =	ssettag $0x2  }
0x44: {  	s0 =	rddreg [dreg:$0x0];
	s2 =	stileid.u32  }
0x45: {  	s1 =	rddreg [dreg:$0x1];
	p0 =	sne.s32 s2, $0x0  }
0x46: {  	s3 =	rddreg [dreg:$0x2];
	[bflag:$0x3] =	sbarrier.arrive $0xFFFF;
	s2 =	simm.s32 @!p0 $0x1C02  }
0x47: {  	[timem:s3], [sflag:s2] =	dma.local @!p0 [hbm:s0], s1  }
0x48: {  	s0 =	simm.s32 @!p0 $0x2  }
0x49: {  	_ =	swait.ge @!p0 [sflag:s0], s1  }
0x4a: {  	s1 =	ssub.s32 @!p0 $0x0, s1;
	[sflag:s0] =	ssyncset.done @!p0 $0x0  }
0x4b: {  	[sflag:s0] =	ssyncadd.s32 @!p0 s1  }
0x4c: {  	[bflag:$0x3] =	sbarrier.arrive $0xFFFF  }
0x4d: {  	_ =	shalt  }

</sc_bundles>
